<compile_context>
chip_gen: v7x
topology: tpu7x:2x2x1
jax: 0.10.2.dev20260603
libtpu: 0.0.44.dev20260713+nightly
codegen_flags: <defaults>
</compile_context>

<pallas_src>
import jax
import jax.numpy as jnp
from jax import lax
from jax.experimental import pallas as pl
from jax.experimental.pallas import tpu as pltpu
from jax.experimental.pallas import tpu_sc as plsc

N = 10000
E = 160000
WIN = 168
H = 256
HH = H // 2
NG = 16
EPG = E // NG
KB = 80
NB = EPG // KB
KBC = KB
NBC = EPG // KBC
RPT = N // NG
BLK = 2000
GRID = N // BLK

_mesh = plsc.VectorSubcoreMesh(core_axis_name="c", subcore_axis_name="s")


def _lane_select(ewv):
    return ewv[...]


NPAD_R = 80


def _deg_body(col_g, eww, idx_in, dinv_out, colv, degl, idxv, ewv, degsh, sem):
    c = lax.axis_index("c")
    t = lax.axis_index("s")
    pltpu.sync_copy(eww.at[t], ewv)
    pltpu.sync_copy(col_g.at[t], colv)
    pltpu.sync_copy(idx_in, idxv)
    wspl = _lane_select(ewv)

    zz = jnp.zeros((16,), jnp.float32)

    @pl.loop(0, NPAD_R)
    def _zero(i):
        for j in range(8):
            degl[i, pl.ds(j * 16, 16)] = zz

    @pl.when(t == 0)
    def _zsh():
        pltpu.sync_copy(degl, degsh)

    plsc.subcore_barrier()

    @pl.loop(0, NB)
    def _acc(i):
        for j in range(KB // 16):
            cv = colv[i, pl.ds(j * 16, 16)]
            hi = lax.shift_right_logical(cv, 7)
            lo = lax.bitwise_and(cv, jnp.full((16,), 127, jnp.int32))
            plsc.addupdate_scatter(degl, [hi, lo], wspl)

    plsc.subcore_barrier()
    pltpu.sync_copy(degl, degsh.at[idxv.at[0]], add=True)
    plsc.subcore_barrier()
    pltpu.sync_copy(degsh, degl)

    @pl.loop(0, NPAD_R)
    def _rsqrt(i):
        for j in range(8):
            d = degl[i, pl.ds(j * 16, 16)]
            pos = d > jnp.zeros((16,), jnp.float32)
            dsafe = jnp.where(pos, d, jnp.ones((16,), jnp.float32))
            ib = plsc.bitcast(dsafe, jnp.int32)
            ib = (jnp.full((16,), 0x5F3759DF, jnp.int32)
                  - lax.shift_right_logical(ib, 1))
            y = plsc.bitcast(ib, jnp.float32)
            half = dsafe * 0.5
            for _ in range(4):
                y = y * (1.5 - half * y * y)
            degl[i, pl.ds(j * 16, 16)] = jnp.where(
                pos, y, jnp.zeros((16,), jnp.float32))

    @pl.when(jnp.logical_and(c == 0, t == 0))
    def _wr():
        pltpu.sync_copy(degl, dinv_out)


@jax.jit
def _deg_kernel(col_g, edge_w, idx80):
    return pl.kernel(
        _deg_body,
        out_type=jax.ShapeDtypeStruct((NPAD_R, 128), jnp.float32),
        mesh=_mesh,
        compiler_params=pltpu.CompilerParams(needs_layout_passes=False),
        scratch_types=[
            pltpu.VMEM((NB, KB), jnp.int32),
            pltpu.VMEM((NPAD_R, 128), jnp.float32),
            pltpu.VMEM((1, NPAD_R), jnp.int32),
            pltpu.VMEM((16,), jnp.float32),
            pltpu.VMEM_SHARED((NPAD_R, 128), jnp.float32),
            pltpu.SemaphoreType.DMA,
        ],
    )(col_g, edge_w, idx80)


def _conv_body(hwa, hwb, row_g, col_g, eww, agga, aggb,
               rowv, colv, ewv, g0, g1, g2, aggsh,
               sg0, sg1, sg2, ss0, ss1, ss2):
    c = lax.axis_index("c")
    t = lax.axis_index("s")
    gbufs = (g0, g1, g2)
    sg = (sg0, sg1, sg2)
    ss = (ss0, ss1, ss2)
    pltpu.sync_copy(eww.at[t], ewv)
    pltpu.sync_copy(row_g.at[t], rowv)
    pltpu.sync_copy(col_g.at[t], colv)
    wspl = _lane_select(ewv)

    def ridx(b):
        return rowv.at[pl.ds(pl.multiple_of(b * KBC, 8), KBC)]

    def cidx(b):
        return colv.at[pl.ds(pl.multiple_of(b * KBC, 8), KBC)]

    zz = jnp.zeros((16,), jnp.float32)

    @pl.loop(0, KBC)
    def _zero(r):
        for j in range(HH // 16):
            g0[r, pl.ds(j * 16, 16)] = zz

    nch = N // 80

    @pl.loop(0, (nch + NG - 1) // NG)
    def _zsh(m):
        g = t + NG * m

        @pl.when(g < nch)
        def _():
            off = pl.multiple_of(g * 80, 8)
            pltpu.sync_copy(g0, aggsh.at[pl.ds(off, 80)])

    plsc.subcore_barrier()

    def scale(buf):
        @pl.loop(0, KBC, step=8)
        def _s(r):
            for rr in range(8):
                for j in range(HH // 16):
                    sl = (r + rr, pl.ds(j * 16, 16))
                    buf[sl] = buf[sl] * wspl

    def run(hw_ref):
        pltpu.async_copy(hw_ref.at[ridx(0)], g0, sg0)
        pltpu.async_copy(hw_ref.at[ridx(1)], g1, sg1)

        @pl.loop(0, NBC - 2, step=3)
        def _main(b):
            for k in range(3):
                bk = b + k
                jj = (k + 2) % 3
                pltpu.make_async_copy(hw_ref.at[ridx(bk)], gbufs[k],
                                      sg[k]).wait()
                scale(gbufs[k])
                pltpu.async_copy(gbufs[k], aggsh.at[cidx(bk)], ss[k],
                                 add=True)
                nxt = bk + 2

                @pl.when(nxt < NBC)
                def _issue(nxt=nxt, jj=jj):
                    @pl.when(nxt >= 3)
                    def _wsc():
                        pltpu.make_async_copy(
                            gbufs[jj], aggsh.at[cidx(nxt - 3)],
                            ss[jj]).wait()
                    pltpu.async_copy(hw_ref.at[ridx(nxt)], gbufs[jj],
                                     sg[jj])

        for bk in (NBC - 2, NBC - 1):
            k = bk % 3
            pltpu.make_async_copy(hw_ref.at[ridx(bk)], gbufs[k],
                                  sg[k]).wait()
            scale(gbufs[k])
            pltpu.sync_copy(gbufs[k], aggsh.at[cidx(bk)], add=True)
        k3 = (NBC - 3) % 3
        pltpu.make_async_copy(gbufs[k3], aggsh.at[cidx(NBC - 3)],
                              ss[k3]).wait()

    @pl.when(c == 0)
    def _r0():
        run(hwa)

    @pl.when(c == 1)
    def _r1():
        run(hwb)

    plsc.subcore_barrier()

    def wback(agg_ref):
        @pl.loop(0, (nch + NG - 1) // NG)
        def _wb(m):
            g = t + NG * m

            @pl.when(g < nch)
            def _():
                off = pl.multiple_of(g * 80, 8)
                pltpu.sync_copy(aggsh.at[pl.ds(off, 80)],
                                agg_ref.at[pl.ds(off, 80)])

    @pl.when(c == 0)
    def _w0():
        wback(agga)

    @pl.when(c == 1)
    def _w1():
        wback(aggb)


@jax.jit
def _conv_kernel(hwa, hwb, row_g, col_g, edge_w):
    return pl.kernel(
        _conv_body,
        out_type=(jax.ShapeDtypeStruct((N, HH), jnp.float32),
                  jax.ShapeDtypeStruct((N, HH), jnp.float32)),
        mesh=_mesh,
        compiler_params=pltpu.CompilerParams(needs_layout_passes=False),
        scratch_types=[
            pltpu.VMEM((EPG,), jnp.int32),
            pltpu.VMEM((EPG,), jnp.int32),
            pltpu.VMEM((16,), jnp.float32),
            pltpu.VMEM((KBC, HH), jnp.float32),
            pltpu.VMEM((KBC, HH), jnp.float32),
            pltpu.VMEM((KBC, HH), jnp.float32),
            pltpu.VMEM_SHARED((N, HH), jnp.float32),
            pltpu.SemaphoreType.DMA,
            pltpu.SemaphoreType.DMA,
            pltpu.SemaphoreType.DMA,
            pltpu.SemaphoreType.DMA,
            pltpu.SemaphoreType.DMA,
            pltpu.SemaphoreType.DMA,
        ],
    )(hwa, hwb, row_g, col_g, edge_w)


def _tc_in_body(x_ref, win_ref, bin_ref, wc_ref, dinv_ref,
                h_ref, hwa_ref, hwb_ref):
    h = jnp.dot(x_ref[...], win_ref[...],
                preferred_element_type=jnp.float32) + bin_ref[...]
    h_ref[...] = h
    hws = jnp.dot(h, wc_ref[...],
                  preferred_element_type=jnp.float32) * dinv_ref[...]
    hwa_ref[...] = hws[:, :HH]
    hwb_ref[...] = hws[:, HH:]


@jax.jit
def _tc_in(x, W_in, b_in2, Wc, dinv2):
    return pl.pallas_call(
        _tc_in_body,
        grid=(GRID,),
        in_specs=[
            pl.BlockSpec((BLK, WIN), lambda i: (i, 0)),
            pl.BlockSpec((WIN, H), lambda i: (0, 0)),
            pl.BlockSpec((1, H), lambda i: (0, 0)),
            pl.BlockSpec((H, H), lambda i: (0, 0)),
            pl.BlockSpec((BLK, 1), lambda i: (i, 0)),
        ],
        out_specs=[
            pl.BlockSpec((BLK, H), lambda i: (i, 0)),
            pl.BlockSpec((BLK, HH), lambda i: (i, 0)),
            pl.BlockSpec((BLK, HH), lambda i: (i, 0)),
        ],
        out_shape=[
            jax.ShapeDtypeStruct((N, H), jnp.float32),
            jax.ShapeDtypeStruct((N, HH), jnp.float32),
            jax.ShapeDtypeStruct((N, HH), jnp.float32),
        ],
    )(x, W_in, b_in2, Wc, dinv2)


def _tc_mid_body(h_ref, agga_ref, aggb_ref, dinv_ref, bc_ref, wc_ref,
                 hn_ref, hwa_ref, hwb_ref):
    agg = jnp.concatenate([agga_ref[...], aggb_ref[...]], axis=1) * dinv_ref[...]
    hn = jax.nn.relu(agg + bc_ref[...]) + h_ref[...]
    hn_ref[...] = hn
    hws = jnp.dot(hn, wc_ref[...],
                  preferred_element_type=jnp.float32) * dinv_ref[...]
    hwa_ref[...] = hws[:, :HH]
    hwb_ref[...] = hws[:, HH:]


@jax.jit
def _tc_mid(h, agga, aggb, dinv2, bc2, Wc):
    return pl.pallas_call(
        _tc_mid_body,
        grid=(GRID,),
        in_specs=[
            pl.BlockSpec((BLK, H), lambda i: (i, 0)),
            pl.BlockSpec((BLK, HH), lambda i: (i, 0)),
            pl.BlockSpec((BLK, HH), lambda i: (i, 0)),
            pl.BlockSpec((BLK, 1), lambda i: (i, 0)),
            pl.BlockSpec((1, H), lambda i: (0, 0)),
            pl.BlockSpec((H, H), lambda i: (0, 0)),
        ],
        out_specs=[
            pl.BlockSpec((BLK, H), lambda i: (i, 0)),
            pl.BlockSpec((BLK, HH), lambda i: (i, 0)),
            pl.BlockSpec((BLK, HH), lambda i: (i, 0)),
        ],
        out_shape=[
            jax.ShapeDtypeStruct((N, H), jnp.float32),
            jax.ShapeDtypeStruct((N, HH), jnp.float32),
            jax.ShapeDtypeStruct((N, HH), jnp.float32),
        ],
    )(h, agga, aggb, dinv2, bc2, Wc)


def _tc_out_body(h_ref, agga_ref, aggb_ref, dinv_ref, bc_ref, wout_ref,
                 bout_ref, out_ref):
    agg = jnp.concatenate([agga_ref[...], aggb_ref[...]], axis=1) * dinv_ref[...]
    h3 = jax.nn.relu(agg + bc_ref[...]) + h_ref[...]
    out_ref[...] = jnp.dot(h3, wout_ref[...],
                           preferred_element_type=jnp.float32) + bout_ref[...]


@jax.jit
def _tc_out(h, agga, aggb, dinv2, bc2, W_out, b_out2):
    return pl.pallas_call(
        _tc_out_body,
        grid=(GRID,),
        in_specs=[
            pl.BlockSpec((BLK, H), lambda i: (i, 0)),
            pl.BlockSpec((BLK, HH), lambda i: (i, 0)),
            pl.BlockSpec((BLK, HH), lambda i: (i, 0)),
            pl.BlockSpec((BLK, 1), lambda i: (i, 0)),
            pl.BlockSpec((1, H), lambda i: (0, 0)),
            pl.BlockSpec((H, 1), lambda i: (0, 0)),
            pl.BlockSpec((1, 1), lambda i: (0, 0)),
        ],
        out_specs=pl.BlockSpec((BLK, 1), lambda i: (i, 0)),
        out_shape=jax.ShapeDtypeStruct((N, 1), jnp.float32),
    )(h, agga, aggb, dinv2, bc2, W_out, b_out2)


def kernel(x, edge_index, W_in, b_in, Wc0, bc0, Wc1, bc1, Wc2, bc2,
           W_out, b_out, edge_w):
    row_g = edge_index[0].reshape(EPG, NG).T
    col_g = edge_index[1].reshape(EPG, NG).T
    col_d = edge_index[1].reshape(EPG, NG).T.reshape(NG, NB, KB)
    idx80 = jnp.arange(NPAD_R, dtype=jnp.int32).reshape(1, NPAD_R)
    wmat = jnp.broadcast_to(
        jnp.clip(edge_w, 1e-10, None)[:, None], (NG, 16))

    dinv2 = _deg_kernel(col_d, wmat, idx80).reshape(-1)[:N].reshape(N, 1)
    h, hwa, hwb = _tc_in(x, W_in, b_in.reshape(1, H), Wc0, dinv2)
    for Wn, bc in ((Wc1, bc0), (Wc2, bc1)):
        agga, aggb = _conv_kernel(hwa, hwb, row_g, col_g, wmat)
        h, hwa, hwb = _tc_mid(h, agga, aggb, dinv2, bc.reshape(1, H), Wn)
    agga, aggb = _conv_kernel(hwa, hwb, row_g, col_g, wmat)
    return _tc_out(h, agga, aggb, dinv2, bc2.reshape(1, H),
                   W_out, b_out.reshape(1, 1))

# --- scband reference (transcript-rebuilt; emitter-appended) ---
"""Pipeline reference for scband-weighted-gcn-59012850647263 (READ-ONLY COPY).

The authoritative reference and input builder live on the scoring server;
editing this copy changes nothing except your own understanding.
"""

import jax, jax.numpy as jnp
import numpy as np

N = 10000
E = 160000
WIN = 168
H = 256
NUM_CONVS = 3
L = 16  # len(edge_weights) param; num_graphs = E // L


def setup_inputs(seed: int = 0) -> dict:
    key = jax.random.key(seed)
    ks = jax.random.split(key, 16)
    x = jax.random.normal(ks[0], (N, WIN), dtype=jnp.float32)
    edge_index = jax.random.randint(ks[1], (2, E), 0, N, dtype=jnp.int32)
    # glorot-ish init for learned params
    def glorot(k, shape):
        fan_in, fan_out = shape[0], shape[1]
        s = jnp.sqrt(6.0 / (fan_in + fan_out))
        return jax.random.uniform(k, shape, dtype=jnp.float32, minval=-s, maxval=s)
    W_in = glorot(ks[2], (WIN, H))
    b_in = jnp.zeros((H,), dtype=jnp.float32)
    Wc0 = glorot(ks[3], (H, H)); bc0 = jnp.zeros((H,), dtype=jnp.float32)
    Wc1 = glorot(ks[4], (H, H)); bc1 = jnp.zeros((H,), dtype=jnp.float32)
    Wc2 = glorot(ks[5], (H, H)); bc2 = jnp.zeros((H,), dtype=jnp.float32)
    W_out = glorot(ks[6], (H, 1))
    b_out = jnp.zeros((1,), dtype=jnp.float32)
    edge_w = jax.random.uniform(ks[7], (L,), dtype=jnp.float32, minval=0.1, maxval=1.0)
    return {"x": x, "edge_index": edge_index, "W_in": W_in, "b_in": b_in,
            "Wc0": Wc0, "bc0": bc0, "Wc1": Wc1, "bc1": bc1, "Wc2": Wc2, "bc2": bc2,
            "W_out": W_out, "b_out": b_out, "edge_w": edge_w}


def reference(x, edge_index, W_in, b_in, Wc0, bc0, Wc1, bc1, Wc2, bc2, W_out, b_out, edge_w):
    num_graphs = E // L
    ew = jnp.clip(edge_w, 1e-10, None)
    ew = jnp.tile(ew, num_graphs)  # edge_weights.repeat(num_graphs)
    row = edge_index[0]
    col = edge_index[1]
    # gcn_norm with add_self_loops=False
    deg = jnp.zeros((N,), dtype=jnp.float32).at[col].add(ew)
    dinv = jnp.where(deg > 0, 1.0 / jnp.sqrt(jnp.where(deg > 0, deg, 1.0)), 0.0)
    norm = dinv[row] * ew * dinv[col]

    h = x @ W_in + b_in
    for W, b in ((Wc0, bc0), (Wc1, bc1), (Wc2, bc2)):
        hw = h @ W
        msg = hw[row] * norm[:, None]
        agg = jnp.zeros_like(hw).at[col].add(msg)
        conv_out = agg + b
        h = jax.nn.relu(conv_out) + h  # residual=True
    out = h @ W_out + b_out
    return out  # append_mse with y=None -> just predictions

if __name__ == "__main__":
    import jax
    _d = setup_inputs()
    print(jax.jit(kernel)(*tuple(_d.values())))

</pallas_src>

<mosaic_0001>
#map = affine_map<(d0, d1) -> (0, 0, 0)>
#map1 = affine_map<(d0, d1) -> (0, 0)>
module attributes {stable_mosaic.version = 14 : i64} {
  func.func @_deg_body(%arg0: i32, %arg1: i32, %arg2: memref<16x125x80xi32, #tpu.memory_space<hbm>>, %arg3: memref<16x16xf32, #tpu.memory_space<hbm>>, %arg4: memref<1x80xi32, #tpu.memory_space<hbm>>, %arg5: memref<80x128xf32, #tpu.memory_space<hbm>>, %arg6: memref<125x80xi32, #tpu.memory_space<vmem>>, %arg7: memref<80x128xf32, #tpu.memory_space<vmem>>, %arg8: memref<1x80xi32, #tpu.memory_space<vmem>>, %arg9: memref<16xf32, #tpu.memory_space<vmem>>, %arg10: memref<80x128xf32, #tpu.memory_space<vmem_shared>>, %arg11: memref<!tpu.dma_semaphore, #tpu.memory_space<semaphore_mem>>) attributes {dimension_semantics = [#tpu.dimension_semantics<core_parallel>, #tpu.dimension_semantics<subcore_parallel>], iteration_bounds = array<i64: 2, 16>, scalar_prefetch = 0 : i64, scratch_operands = 6 : i64, tpu.core_type = #tpu.core_type<sc_vector_subcore>, window_params = [{transform_indices = #map}, {transform_indices = #map1}, {transform_indices = #map1}, {transform_indices = #map1}]} {
    "tpu.region"() ({
      %run_scoped3A_27 = tpu.sem_alloc : memref<!tpu.dma_semaphore, #tpu.memory_space<semaphore_mem>>
      %dma_start3A = arith.constant 0 : i32
      %dma_start3A_28 = tpu.memref_slice %arg3[%arg1, %dma_start3A] : memref<16x16xf32, #tpu.memory_space<hbm>> -> memref<1x16xf32, #tpu.memory_space<hbm>>
      %dma_start3A_29 = tpu.memref_squeeze %dma_start3A_28 : memref<1x16xf32, #tpu.memory_space<hbm>> -> memref<16xf32, #tpu.memory_space<hbm>>
      %dma_start3A_30 = arith.constant 0 : i32
      %dma_start3A_31 = tpu.memref_slice %arg3[%arg1, %dma_start3A_30] : memref<16x16xf32, #tpu.memory_space<hbm>> -> memref<1x16xf32, #tpu.memory_space<hbm>>
      %dma_start3A_32 = tpu.memref_squeeze %dma_start3A_31 : memref<1x16xf32, #tpu.memory_space<hbm>> -> memref<16xf32, #tpu.memory_space<hbm>>
      tpu.enqueue_dma source(%dma_start3A_32 : memref<16xf32, #tpu.memory_space<hbm>>) target(%arg9 : memref<16xf32, #tpu.memory_space<vmem>>) target_semaphore(%run_scoped3A_27 : memref<!tpu.dma_semaphore, #tpu.memory_space<semaphore_mem>>)
      %dma_wait3A = arith.constant 0 : i32
      %dma_wait3A_33 = tpu.memref_slice %arg3[%arg1, %dma_wait3A] : memref<16x16xf32, #tpu.memory_space<hbm>> -> memref<1x16xf32, #tpu.memory_space<hbm>>
      %dma_wait3A_34 = tpu.memref_squeeze %dma_wait3A_33 : memref<1x16xf32, #tpu.memory_space<hbm>> -> memref<16xf32, #tpu.memory_space<hbm>>
      %dma_wait3A_35 = arith.constant 0 : i32
      %dma_wait3A_36 = tpu.memref_slice %arg3[%arg1, %dma_wait3A_35] : memref<16x16xf32, #tpu.memory_space<hbm>> -> memref<1x16xf32, #tpu.memory_space<hbm>>
      %dma_wait3A_37 = tpu.memref_squeeze %dma_wait3A_36 : memref<1x16xf32, #tpu.memory_space<hbm>> -> memref<16xf32, #tpu.memory_space<hbm>>
      tpu.wait_dma2 semaphore(%run_scoped3A_27 : memref<!tpu.dma_semaphore, #tpu.memory_space<semaphore_mem>>) src(%dma_wait3A_37 : memref<16xf32, #tpu.memory_space<hbm>>) dst(%arg9 : memref<16xf32, #tpu.memory_space<vmem>>)
      tpu.yield
    }) : () -> ()
    "tpu.region"() ({
      %run_scoped3A_27 = tpu.sem_alloc : memref<!tpu.dma_semaphore, #tpu.memory_space<semaphore_mem>>
      %dma_start3A = arith.constant 0 : i32
      %dma_start3A_28 = arith.constant 0 : i32
      %dma_start3A_29 = tpu.memref_slice %arg2[%arg1, %dma_start3A, %dma_start3A_28] : memref<16x125x80xi32, #tpu.memory_space<hbm>> -> memref<1x125x80xi32, #tpu.memory_space<hbm>>
      %dma_start3A_30 = tpu.memref_squeeze %dma_start3A_29 : memref<1x125x80xi32, #tpu.memory_space<hbm>> -> memref<125x80xi32, #tpu.memory_space<hbm>>
      %dma_start3A_31 = arith.constant 0 : i32
      %dma_start3A_32 = arith.constant 0 : i32
      %dma_start3A_33 = tpu.memref_slice %arg2[%arg1, %dma_start3A_31, %dma_start3A_32] : memref<16x125x80xi32, #tpu.memory_space<hbm>> -> memref<1x125x80xi32, #tpu.memory_space<hbm>>
      %dma_start3A_34 = tpu.memref_squeeze %dma_start3A_33 : memref<1x125x80xi32, #tpu.memory_space<hbm>> -> memref<125x80xi32, #tpu.memory_space<hbm>>
      tpu.enqueue_dma source(%dma_start3A_34 : memref<125x80xi32, #tpu.memory_space<hbm>>) target(%arg6 : memref<125x80xi32, #tpu.memory_space<vmem>>) target_semaphore(%run_scoped3A_27 : memref<!tpu.dma_semaphore, #tpu.memory_space<semaphore_mem>>)
      %dma_wait3A = arith.constant 0 : i32
      %dma_wait3A_35 = arith.constant 0 : i32
      %dma_wait3A_36 = tpu.memref_slice %arg2[%arg1, %dma_wait3A, %dma_wait3A_35] : memref<16x125x80xi32, #tpu.memory_space<hbm>> -> memref<1x125x80xi32, #tpu.memory_space<hbm>>
      %dma_wait3A_37 = tpu.memref_squeeze %dma_wait3A_36 : memref<1x125x80xi32, #tpu.memory_space<hbm>> -> memref<125x80xi32, #tpu.memory_space<hbm>>
      %dma_wait3A_38 = arith.constant 0 : i32
      %dma_wait3A_39 = arith.constant 0 : i32
      %dma_wait3A_40 = tpu.memref_slice %arg2[%arg1, %dma_wait3A_38, %dma_wait3A_39] : memref<16x125x80xi32, #tpu.memory_space<hbm>> -> memref<1x125x80xi32, #tpu.memory_space<hbm>>
      %dma_wait3A_41 = tpu.memref_squeeze %dma_wait3A_40 : memref<1x125x80xi32, #tpu.memory_space<hbm>> -> memref<125x80xi32, #tpu.memory_space<hbm>>
      tpu.wait_dma2 semaphore(%run_scoped3A_27 : memref<!tpu.dma_semaphore, #tpu.memory_space<semaphore_mem>>) src(%dma_wait3A_41 : memref<125x80xi32, #tpu.memory_space<hbm>>) dst(%arg6 : memref<125x80xi32, #tpu.memory_space<vmem>>)
      tpu.yield
    }) : () -> ()
    "tpu.region"() ({
      %run_scoped3A_27 = tpu.sem_alloc : memref<!tpu.dma_semaphore, #tpu.memory_space<semaphore_mem>>
      tpu.enqueue_dma source(%arg4 : memref<1x80xi32, #tpu.memory_space<hbm>>) target(%arg8 : memref<1x80xi32, #tpu.memory_space<vmem>>) target_semaphore(%run_scoped3A_27 : memref<!tpu.dma_semaphore, #tpu.memory_space<semaphore_mem>>)
      tpu.wait_dma2 semaphore(%run_scoped3A_27 : memref<!tpu.dma_semaphore, #tpu.memory_space<semaphore_mem>>) src(%arg4 : memref<1x80xi32, #tpu.memory_space<hbm>>) dst(%arg8 : memref<1x80xi32, #tpu.memory_space<vmem>>)
      tpu.yield
    }) : () -> ()
    %get3A = arith.constant 0 : index
    %get3A_0 = tpu.vector_load %arg9[%get3A] {strides = array<i32>} : memref<16xf32, #tpu.memory_space<vmem>>, vector<16xf32>,
    %broadcast_in_dim3A = arith.constant 0.000000e+00 : f32
    %broadcast_in_dim3A_1 = vector.broadcast %broadcast_in_dim3A : f32 to vector<16xf32>
    %scan3A = arith.constant 0 : i32
    %scan3A_2 = arith.constant 80 : i32
    %scan3A_3 = arith.addi %scan3A, %scan3A_2 : i32
    %scan3A_4 = arith.constant 1 : i32
    scf.for %scan3A_27 = %scan3A to %scan3A_3 step %scan3A_4  : i32 {
      %mul3A = arith.constant 1 : i32
      %mul3A_28 = arith.muli %scan3A_27, %mul3A : i32
      %add3A = arith.constant 0 : i32
      %add3A_29 = arith.addi %add3A, %mul3A_28 : i32
      %swap3A = arith.index_cast %add3A_29 : i32 to index
      %swap3A_30 = arith.constant 0 : index
      %swap3A_31 = tpu.vector_load %arg7[%swap3A, %swap3A_30] {strides = array<i32>} : memref<80x128xf32, #tpu.memory_space<vmem>>, vector<16xf32>,
      tpu.vector_store %arg7[%swap3A, %swap3A_30], %broadcast_in_dim3A_1 {strides = array<i32>} : memref<80x128xf32, #tpu.memory_space<vmem>>, vector<16xf32>,
      %swap3A_32 = arith.index_cast %add3A_29 : i32 to index
      %swap3A_33 = arith.constant 16 : index
      %swap3A_34 = tpu.vector_load %arg7[%swap3A_32, %swap3A_33] {strides = array<i32>} : memref<80x128xf32, #tpu.memory_space<vmem>>, vector<16xf32>,
      tpu.vector_store %arg7[%swap3A_32, %swap3A_33], %broadcast_in_dim3A_1 {strides = array<i32>} : memref<80x128xf32, #tpu.memory_space<vmem>>, vector<16xf32>,
      %swap3A_35 = arith.index_cast %add3A_29 : i32 to index
      %swap3A_36 = arith.constant 32 : index
      %swap3A_37 = tpu.vector_load %arg7[%swap3A_35, %swap3A_36] {strides = array<i32>} : memref<80x128xf32, #tpu.memory_space<vmem>>, vector<16xf32>,
      tpu.vector_store %arg7[%swap3A_35, %swap3A_36], %broadcast_in_dim3A_1 {strides = array<i32>} : memref<80x128xf32, #tpu.memory_space<vmem>>, vector<16xf32>,
      %swap3A_38 = arith.index_cast %add3A_29 : i32 to index
      %swap3A_39 = arith.constant 48 : index
      %swap3A_40 = tpu.vector_load %arg7[%swap3A_38, %swap3A_39] {strides = array<i32>} : memref<80x128xf32, #tpu.memory_space<vmem>>, vector<16xf32>,
      tpu.vector_store %arg7[%swap3A_38, %swap3A_39], %broadcast_in_dim3A_1 {strides = array<i32>} : memref<80x128xf32, #tpu.memory_space<vmem>>, vector<16xf32>,
      %swap3A_41 = arith.index_cast %add3A_29 : i32 to index
      %swap3A_42 = arith.constant 64 : index
      %swap3A_43 = tpu.vector_load %arg7[%swap3A_41, %swap3A_42] {strides = array<i32>} : memref<80x128xf32, #tpu.memory_space<vmem>>, vector<16xf32>,
      tpu.vector_store %arg7[%swap3A_41, %swap3A_42], %broadcast_in_dim3A_1 {strides = array<i32>} : memref<80x128xf32, #tpu.memory_space<vmem>>, vector<16xf32>,
      %swap3A_44 = arith.index_cast %add3A_29 : i32 to index
      %swap3A_45 = arith.constant 80 : index
      %swap3A_46 = tpu.vector_load %arg7[%swap3A_44, %swap3A_45] {strides = array<i32>} : memref<80x128xf32, #tpu.memory_space<vmem>>, vector<16xf32>,
      tpu.vector_store %arg7[%swap3A_44, %swap3A_45], %broadcast_in_dim3A_1 {strides = array<i32>} : memref<80x128xf32, #tpu.memory_space<vmem>>, vector<16xf32>,
      %swap3A_47 = arith.index_cast %add3A_29 : i32 to index
      %swap3A_48 = arith.constant 96 : index
      %swap3A_49 = tpu.vector_load %arg7[%swap3A_47, %swap3A_48] {strides = array<i32>} : memref<80x128xf32, #tpu.memory_space<vmem>>, vector<16xf32>,
      tpu.vector_store %arg7[%swap3A_47, %swap3A_48], %broadcast_in_dim3A_1 {strides = array<i32>} : memref<80x128xf32, #tpu.memory_space<vmem>>, vector<16xf32>,
      %swap3A_50 = arith.index_cast %add3A_29 : i32 to index
      %swap3A_51 = arith.constant 112 : index
      %swap3A_52 = tpu.vector_load %arg7[%swap3A_50, %swap3A_51] {strides = array<i32>} : memref<80x128xf32, #tpu.memory_space<vmem>>, vector<16xf32>,
      tpu.vector_store %arg7[%swap3A_50, %swap3A_51], %broadcast_in_dim3A_1 {strides = array<i32>} : memref<80x128xf32, #tpu.memory_space<vmem>>, vector<16xf32>,
    }
    %scan3A_5 = arith.constant 80 : i32
    %eq3A = arith.constant 0 : i32
    %eq3A_6 = arith.cmpi eq, %arg1, %eq3A : i32
    %convert_element_type3A = arith.extui %eq3A_6 : i1 to i32
    %cond3A = arith.constant 0 : i32
    %cond3A_7 = arith.cmpi ne, %convert_element_type3A, %cond3A : i32
    scf.if %cond3A_7 {
      "tpu.region"() ({
        %run_scoped3A_27 = tpu.sem_alloc : memref<!tpu.dma_semaphore, #tpu.memory_space<semaphore_mem>>
        tpu.enqueue_dma source(%arg7 : memref<80x128xf32, #tpu.memory_space<vmem>>) target(%arg10 : memref<80x128xf32, #tpu.memory_space<vmem_shared>>) target_semaphore(%run_scoped3A_27 : memref<!tpu.dma_semaphore, #tpu.memory_space<semaphore_mem>>)
        tpu.wait_dma2 semaphore(%run_scoped3A_27 : memref<!tpu.dma_semaphore, #tpu.memory_space<semaphore_mem>>) src(%arg7 : memref<80x128xf32, #tpu.memory_space<vmem>>) dst(%arg10 : memref<80x128xf32, #tpu.memory_space<vmem_shared>>)
        tpu.yield
      }) : () -> ()
    } else {
    }
    %barrier3A = arith.constant 0 : index
    tpu.barrier barrier_id(%barrier3A)
    %scan3A_8 = arith.constant 0 : i32
    %scan3A_9 = arith.constant 125 : i32
    %scan3A_10 = arith.addi %scan3A_8, %scan3A_9 : i32
    %scan3A_11 = arith.constant 1 : i32
    scf.for %scan3A_27 = %scan3A_8 to %scan3A_10 step %scan3A_11  : i32 {
      %mul3A = arith.constant 1 : i32
      %mul3A_28 = arith.muli %scan3A_27, %mul3A : i32
      %add3A = arith.constant 0 : i32
      %add3A_29 = arith.addi %add3A, %mul3A_28 : i32
      %get3A_30 = arith.index_cast %add3A_29 : i32 to index
      %get3A_31 = arith.constant 0 : index
      %get3A_32 = tpu.vector_load %arg6[%get3A_30, %get3A_31] {strides = array<i32>} : memref<125x80xi32, #tpu.memory_space<vmem>>, vector<16xi32>,
      %shift_right_logical3A = arith.constant 7 : i32
      %shift_right_logical3A_33 = vector.broadcast %shift_right_logical3A : i32 to vector<16xi32>
      %shift_right_logical3A_34 = arith.shrui %get3A_32, %shift_right_logical3A_33 : vector<16xi32>
      %broadcast_in_dim3A_35 = arith.constant 127 : i32
      %broadcast_in_dim3A_36 = vector.broadcast %broadcast_in_dim3A_35 : i32 to vector<16xi32>
      %and3A_37 = arith.andi %get3A_32, %broadcast_in_dim3A_36 : vector<16xi32>
      tpu.vector_store_idx %arg7[%shift_right_logical3A_34, %and3A_37], %get3A_0 {add = true} : memref<80x128xf32, #tpu.memory_space<vmem>>[vector<16xi32>, vector<16xi32>], vector<16xf32>,
      %get3A_38 = arith.index_cast %add3A_29 : i32 to index
      %get3A_39 = arith.constant 16 : index
      %get3A_40 = tpu.vector_load %arg6[%get3A_38, %get3A_39] {strides = array<i32>} : memref<125x80xi32, #tpu.memory_space<vmem>>, vector<16xi32>,
      %shift_right_logical3A_41 = arith.constant 7 : i32
      %shift_right_logical3A_42 = vector.broadcast %shift_right_logical3A_41 : i32 to vector<16xi32>
      %shift_right_logical3A_43 = arith.shrui %get3A_40, %shift_right_logical3A_42 : vector<16xi32>
      %broadcast_in_dim3A_44 = arith.constant 127 : i32
      %broadcast_in_dim3A_45 = vector.broadcast %broadcast_in_dim3A_44 : i32 to vector<16xi32>
      %and3A_46 = arith.andi %get3A_40, %broadcast_in_dim3A_45 : vector<16xi32>
      tpu.vector_store_idx %arg7[%shift_right_logical3A_43, %and3A_46], %get3A_0 {add = true} : memref<80x128xf32, #tpu.memory_space<vmem>>[vector<16xi32>, vector<16xi32>], vector<16xf32>,
      %get3A_47 = arith.index_cast %add3A_29 : i32 to index
      %get3A_48 = arith.constant 32 : index
      %get3A_49 = tpu.vector_load %arg6[%get3A_47, %get3A_48] {strides = array<i32>} : memref<125x80xi32, #tpu.memory_space<vmem>>, vector<16xi32>,
      %shift_right_logical3A_50 = arith.constant 7 : i32
      %shift_right_logical3A_51 = vector.broadcast %shift_right_logical3A_50 : i32 to vector<16xi32>
      %shift_right_logical3A_52 = arith.shrui %get3A_49, %shift_right_logical3A_51 : vector<16xi32>
      %broadcast_in_dim3A_53 = arith.constant 127 : i32
      %broadcast_in_dim3A_54 = vector.broadcast %broadcast_in_dim3A_53 : i32 to vector<16xi32>
      %and3A_55 = arith.andi %get3A_49, %broadcast_in_dim3A_54 : vector<16xi32>
      tpu.vector_store_idx %arg7[%shift_right_logical3A_52, %and3A_55], %get3A_0 {add = true} : memref<80x128xf32, #tpu.memory_space<vmem>>[vector<16xi32>, vector<16xi32>], vector<16xf32>,
      %get3A_56 = arith.index_cast %add3A_29 : i32 to index
      %get3A_57 = arith.constant 48 : index
      %get3A_58 = tpu.vector_load %arg6[%get3A_56, %get3A_57] {strides = array<i32>} : memref<125x80xi32, #tpu.memory_space<vmem>>, vector<16xi32>,
      %shift_right_logical3A_59 = arith.constant 7 : i32
      %shift_right_logical3A_60 = vector.broadcast %shift_right_logical3A_59 : i32 to vector<16xi32>
      %shift_right_logical3A_61 = arith.shrui %get3A_58, %shift_right_logical3A_60 : vector<16xi32>
      %broadcast_in_dim3A_62 = arith.constant 127 : i32
      %broadcast_in_dim3A_63 = vector.broadcast %broadcast_in_dim3A_62 : i32 to vector<16xi32>
      %and3A_64 = arith.andi %get3A_58, %broadcast_in_dim3A_63 : vector<16xi32>
      tpu.vector_store_idx %arg7[%shift_right_logical3A_61, %and3A_64], %get3A_0 {add = true} : memref<80x128xf32, #tpu.memory_space<vmem>>[vector<16xi32>, vector<16xi32>], vector<16xf32>,
      %get3A_65 = arith.index_cast %add3A_29 : i32 to index
      %get3A_66 = arith.constant 64 : index
      %get3A_67 = tpu.vector_load %arg6[%get3A_65, %get3A_66] {strides = array<i32>} : memref<125x80xi32, #tpu.memory_space<vmem>>, vector<16xi32>,
      %shift_right_logical3A_68 = arith.constant 7 : i32
      %shift_right_logical3A_69 = vector.broadcast %shift_right_logical3A_68 : i32 to vector<16xi32>
      %shift_right_logical3A_70 = arith.shrui %get3A_67, %shift_right_logical3A_69 : vector<16xi32>
      %broadcast_in_dim3A_71 = arith.constant 127 : i32
      %broadcast_in_dim3A_72 = vector.broadcast %broadcast_in_dim3A_71 : i32 to vector<16xi32>
      %and3A_73 = arith.andi %get3A_67, %broadcast_in_dim3A_72 : vector<16xi32>
      tpu.vector_store_idx %arg7[%shift_right_logical3A_70, %and3A_73], %get3A_0 {add = true} : memref<80x128xf32, #tpu.memory_space<vmem>>[vector<16xi32>, vector<16xi32>], vector<16xf32>,
    }
    %scan3A_12 = arith.constant 125 : i32
    %barrier3A_13 = arith.constant 0 : index
    tpu.barrier barrier_id(%barrier3A_13)
    %run_scoped3A = arith.constant 0 : i32
    "tpu.region"() ({
      %run_scoped3A_27 = tpu.sem_alloc : memref<!tpu.dma_semaphore, #tpu.memory_space<semaphore_mem>>
      %dma_start3A = arith.constant 0 : i32
      %dma_start3A_28 = tpu.memref_slice %arg8[%run_scoped3A, %dma_start3A] : memref<1x80xi32, #tpu.memory_space<vmem>> -> memref<1x80xi32, #tpu.memory_space<vmem>>
      %dma_start3A_29 = tpu.memref_squeeze %dma_start3A_28 : memref<1x80xi32, #tpu.memory_space<vmem>> -> memref<80xi32, #tpu.memory_space<vmem>>
      %dma_start3A_30 = arith.constant 0 : i32
      %dma_start3A_31 = arith.constant 0 : i32
      %dma_start3A_32 = tpu.memref_slice %arg10[%dma_start3A_30, %dma_start3A_31] : memref<80x128xf32, #tpu.memory_space<vmem_shared>> -> memref<80x128xf32, #tpu.memory_space<vmem_shared>>
      tpu.enqueue_indirect_dma source(%arg7 : memref<80x128xf32, #tpu.memory_space<vmem>>) target(%dma_start3A_32 : memref<80x128xf32, #tpu.memory_space<vmem_shared>>) offsets(%dma_start3A_29 : memref<80xi32, #tpu.memory_space<vmem>>) semaphore(%run_scoped3A_27 : memref<!tpu.dma_semaphore, #tpu.memory_space<semaphore_mem>>) {add = true}
      %dma_wait3A = arith.constant 0 : i32
      %dma_wait3A_33 = tpu.memref_slice %arg8[%run_scoped3A, %dma_wait3A] : memref<1x80xi32, #tpu.memory_space<vmem>> -> memref<1x80xi32, #tpu.memory_space<vmem>>
      %dma_wait3A_34 = tpu.memref_squeeze %dma_wait3A_33 : memref<1x80xi32, #tpu.memory_space<vmem>> -> memref<80xi32, #tpu.memory_space<vmem>>
      %dma_wait3A_35 = arith.constant 0 : i32
      %dma_wait3A_36 = arith.constant 0 : i32
      %dma_wait3A_37 = tpu.memref_slice %arg10[%dma_wait3A_35, %dma_wait3A_36] : memref<80x128xf32, #tpu.memory_space<vmem_shared>> -> memref<80x128xf32, #tpu.memory_space<vmem_shared>>
      tpu.wait_indirect_dma semaphore(%run_scoped3A_27 : memref<!tpu.dma_semaphore, #tpu.memory_space<semaphore_mem>>) src(%arg7 : memref<80x128xf32, #tpu.memory_space<vmem>>) dst(%dma_wait3A_37 : memref<80x128xf32, #tpu.memory_space<vmem_shared>>)
      tpu.yield
    }) : () -> ()
    %barrier3A_14 = arith.constant 0 : index
    tpu.barrier barrier_id(%barrier3A_14)
    "tpu.region"() ({
      %run_scoped3A_27 = tpu.sem_alloc : memref<!tpu.dma_semaphore, #tpu.memory_space<semaphore_mem>>
      tpu.enqueue_dma source(%arg10 : memref<80x128xf32, #tpu.memory_space<vmem_shared>>) target(%arg7 : memref<80x128xf32, #tpu.memory_space<vmem>>) target_semaphore(%run_scoped3A_27 : memref<!tpu.dma_semaphore, #tpu.memory_space<semaphore_mem>>)
      tpu.wait_dma2 semaphore(%run_scoped3A_27 : memref<!tpu.dma_semaphore, #tpu.memory_space<semaphore_mem>>) src(%arg10 : memref<80x128xf32, #tpu.memory_space<vmem_shared>>) dst(%arg7 : memref<80x128xf32, #tpu.memory_space<vmem>>)
      tpu.yield
    }) : () -> ()
    %scan3A_15 = arith.constant 0 : i32
    %scan3A_16 = arith.constant 80 : i32
    %scan3A_17 = arith.addi %scan3A_15, %scan3A_16 : i32
    %scan3A_18 = arith.constant 1 : i32
    scf.for %scan3A_27 = %scan3A_15 to %scan3A_17 step %scan3A_18  : i32 {
      %mul3A = arith.constant 1 : i32
      %mul3A_28 = arith.muli %scan3A_27, %mul3A : i32
      %add3A = arith.constant 0 : i32
      %add3A_29 = arith.addi %add3A, %mul3A_28 : i32
      %get3A_30 = arith.index_cast %add3A_29 : i32 to index
      %get3A_31 = arith.constant 0 : index
      %get3A_32 = tpu.vector_load %arg7[%get3A_30, %get3A_31] {strides = array<i32>} : memref<80x128xf32, #tpu.memory_space<vmem>>, vector<16xf32>,
      %broadcast_in_dim3A_33 = arith.constant 0.000000e+00 : f32
      %broadcast_in_dim3A_34 = vector.broadcast %broadcast_in_dim3A_33 : f32 to vector<16xf32>
      %gt3A = arith.cmpf ogt, %get3A_32, %broadcast_in_dim3A_34 : vector<16xf32>
      %broadcast_in_dim3A_35 = arith.constant 1.000000e+00 : f32
      %broadcast_in_dim3A_36 = vector.broadcast %broadcast_in_dim3A_35 : f32 to vector<16xf32>
      %select_n3A = arith.select %gt3A, %get3A_32, %broadcast_in_dim3A_36 : vector<16xi1>, vector<16xf32>
      %bitcast3A = vector.bitcast %select_n3A : vector<16xf32> to vector<16xi32>
      %broadcast_in_dim3A_37 = arith.constant 1597463007 : i32
      %broadcast_in_dim3A_38 = vector.broadcast %broadcast_in_dim3A_37 : i32 to vector<16xi32>
      %shift_right_logical3A = arith.constant 1 : i32
      %shift_right_logical3A_39 = vector.broadcast %shift_right_logical3A : i32 to vector<16xi32>
      %shift_right_logical3A_40 = arith.shrui %bitcast3A, %shift_right_logical3A_39 : vector<16xi32>
      %sub3A = arith.subi %broadcast_in_dim3A_38, %shift_right_logical3A_40 : vector<16xi32>
      %bitcast3A_41 = vector.bitcast %sub3A : vector<16xi32> to vector<16xf32>
      %mul3A_42 = arith.constant 5.000000e-01 : f32
      %mul3A_43 = vector.broadcast %mul3A_42 : f32 to vector<16xf32>
      %mul3A_44 = arith.mulf %select_n3A, %mul3A_43 : vector<16xf32>
      %mul3A_45 = arith.mulf %mul3A_44, %bitcast3A_41 : vector<16xf32>
      %mul3A_46 = arith.mulf %mul3A_45, %bitcast3A_41 : vector<16xf32>
      %sub3A_47 = arith.constant 1.500000e+00 : f32
      %sub3A_48 = vector.broadcast %sub3A_47 : f32 to vector<16xf32>
      %sub3A_49 = arith.subf %sub3A_48, %mul3A_46 : vector<16xf32>
      %mul3A_50 = arith.mulf %bitcast3A_41, %sub3A_49 : vector<16xf32>
      %mul3A_51 = arith.mulf %mul3A_44, %mul3A_50 : vector<16xf32>
      %mul3A_52 = arith.mulf %mul3A_51, %mul3A_50 : vector<16xf32>
      %sub3A_53 = arith.constant 1.500000e+00 : f32
      %sub3A_54 = vector.broadcast %sub3A_53 : f32 to vector<16xf32>
      %sub3A_55 = arith.subf %sub3A_54, %mul3A_52 : vector<16xf32>
      %mul3A_56 = arith.mulf %mul3A_50, %sub3A_55 : vector<16xf32>
      %mul3A_57 = arith.mulf %mul3A_44, %mul3A_56 : vector<16xf32>
      %mul3A_58 = arith.mulf %mul3A_57, %mul3A_56 : vector<16xf32>
      %sub3A_59 = arith.constant 1.500000e+00 : f32
      %sub3A_60 = vector.broadcast %sub3A_59 : f32 to vector<16xf32>
      %sub3A_61 = arith.subf %sub3A_60, %mul3A_58 : vector<16xf32>
      %mul3A_62 = arith.mulf %mul3A_56, %sub3A_61 : vector<16xf32>
      %mul3A_63 = arith.mulf %mul3A_44, %mul3A_62 : vector<16xf32>
      %mul3A_64 = arith.mulf %mul3A_63, %mul3A_62 : vector<16xf32>
      %sub3A_65 = arith.constant 1.500000e+00 : f32
      %sub3A_66 = vector.broadcast %sub3A_65 : f32 to vector<16xf32>
      %sub3A_67 = arith.subf %sub3A_66, %mul3A_64 : vector<16xf32>
      %mul3A_68 = arith.mulf %mul3A_62, %sub3A_67 : vector<16xf32>
      %broadcast_in_dim3A_69 = arith.constant 0.000000e+00 : f32
      %broadcast_in_dim3A_70 = vector.broadcast %broadcast_in_dim3A_69 : f32 to vector<16xf32>
      %select_n3A_71 = arith.select %gt3A, %mul3A_68, %broadcast_in_dim3A_70 : vector<16xi1>, vector<16xf32>
      %swap3A = arith.index_cast %add3A_29 : i32 to index
      %swap3A_72 = arith.constant 0 : index
      %swap3A_73 = tpu.vector_load %arg7[%swap3A, %swap3A_72] {strides = array<i32>} : memref<80x128xf32, #tpu.memory_space<vmem>>, vector<16xf32>,
      tpu.vector_store %arg7[%swap3A, %swap3A_72], %select_n3A_71 {strides = array<i32>} : memref<80x128xf32, #tpu.memory_space<vmem>>, vector<16xf32>,
      %get3A_74 = arith.index_cast %add3A_29 : i32 to index
      %get3A_75 = arith.constant 16 : index
      %get3A_76 = tpu.vector_load %arg7[%get3A_74, %get3A_75] {strides = array<i32>} : memref<80x128xf32, #tpu.memory_space<vmem>>, vector<16xf32>,
      %broadcast_in_dim3A_77 = arith.constant 0.000000e+00 : f32
      %broadcast_in_dim3A_78 = vector.broadcast %broadcast_in_dim3A_77 : f32 to vector<16xf32>
      %gt3A_79 = arith.cmpf ogt, %get3A_76, %broadcast_in_dim3A_78 : vector<16xf32>
      %broadcast_in_dim3A_80 = arith.constant 1.000000e+00 : f32
      %broadcast_in_dim3A_81 = vector.broadcast %broadcast_in_dim3A_80 : f32 to vector<16xf32>
      %select_n3A_82 = arith.select %gt3A_79, %get3A_76, %broadcast_in_dim3A_81 : vector<16xi1>, vector<16xf32>
      %bitcast3A_83 = vector.bitcast %select_n3A_82 : vector<16xf32> to vector<16xi32>
      %broadcast_in_dim3A_84 = arith.constant 1597463007 : i32
      %broadcast_in_dim3A_85 = vector.broadcast %broadcast_in_dim3A_84 : i32 to vector<16xi32>
      %shift_right_logical3A_86 = arith.constant 1 : i32
      %shift_right_logical3A_87 = vector.broadcast %shift_right_logical3A_86 : i32 to vector<16xi32>
      %shift_right_logical3A_88 = arith.shrui %bitcast3A_83, %shift_right_logical3A_87 : vector<16xi32>
      %sub3A_89 = arith.subi %broadcast_in_dim3A_85, %shift_right_logical3A_88 : vector<16xi32>
      %bitcast3A_90 = vector.bitcast %sub3A_89 : vector<16xi32> to vector<16xf32>
      %mul3A_91 = arith.constant 5.000000e-01 : f32
      %mul3A_92 = vector.broadcast %mul3A_91 : f32 to vector<16xf32>
      %mul3A_93 = arith.mulf %select_n3A_82, %mul3A_92 : vector<16xf32>
      %mul3A_94 = arith.mulf %mul3A_93, %bitcast3A_90 : vector<16xf32>
      %mul3A_95 = arith.mulf %mul3A_94, %bitcast3A_90 : vector<16xf32>
      %sub3A_96 = arith.constant 1.500000e+00 : f32
      %sub3A_97 = vector.broadcast %sub3A_96 : f32 to vector<16xf32>
      %sub3A_98 = arith.subf %sub3A_97, %mul3A_95 : vector<16xf32>
      %mul3A_99 = arith.mulf %bitcast3A_90, %sub3A_98 : vector<16xf32>
      %mul3A_100 = arith.mulf %mul3A_93, %mul3A_99 : vector<16xf32>
      %mul3A_101 = arith.mulf %mul3A_100, %mul3A_99 : vector<16xf32>
      %sub3A_102 = arith.constant 1.500000e+00 : f32
      %sub3A_103 = vector.broadcast %sub3A_102 : f32 to vector<16xf32>
      %sub3A_104 = arith.subf %sub3A_103, %mul3A_101 : vector<16xf32>
      %mul3A_105 = arith.mulf %mul3A_99, %sub3A_104 : vector<16xf32>
      %mul3A_106 = arith.mulf %mul3A_93, %mul3A_105 : vector<16xf32>
      %mul3A_107 = arith.mulf %mul3A_106, %mul3A_105 : vector<16xf32>
      %sub3A_108 = arith.constant 1.500000e+00 : f32
      %sub3A_109 = vector.broadcast %sub3A_108 : f32 to vector<16xf32>
      %sub3A_110 = arith.subf %sub3A_109, %mul3A_107 : vector<16xf32>
      %mul3A_111 = arith.mulf %mul3A_105, %sub3A_110 : vector<16xf32>
      %mul3A_112 = arith.mulf %mul3A_93, %mul3A_111 : vector<16xf32>
      %mul3A_113 = arith.mulf %mul3A_112, %mul3A_111 : vector<16xf32>
      %sub3A_114 = arith.constant 1.500000e+00 : f32
      %sub3A_115 = vector.broadcast %sub3A_114 : f32 to vector<16xf32>
      %sub3A_116 = arith.subf %sub3A_115, %mul3A_113 : vector<16xf32>
      %mul3A_117 = arith.mulf %mul3A_111, %sub3A_116 : vector<16xf32>
      %broadcast_in_dim3A_118 = arith.constant 0.000000e+00 : f32
      %broadcast_in_dim3A_119 = vector.broadcast %broadcast_in_dim3A_118 : f32 to vector<16xf32>
      %select_n3A_120 = arith.select %gt3A_79, %mul3A_117, %broadcast_in_dim3A_119 : vector<16xi1>, vector<16xf32>
      %swap3A_121 = arith.index_cast %add3A_29 : i32 to index
      %swap3A_122 = arith.constant 16 : index
      %swap3A_123 = tpu.vector_load %arg7[%swap3A_121, %swap3A_122] {strides = array<i32>} : memref<80x128xf32, #tpu.memory_space<vmem>>, vector<16xf32>,
      tpu.vector_store %arg7[%swap3A_121, %swap3A_122], %select_n3A_120 {strides = array<i32>} : memref<80x128xf32, #tpu.memory_space<vmem>>, vector<16xf32>,
      %get3A_124 = arith.index_cast %add3A_29 : i32 to index
      %get3A_125 = arith.constant 32 : index
      %get3A_126 = tpu.vector_load %arg7[%get3A_124, %get3A_125] {strides = array<i32>} : memref<80x128xf32, #tpu.memory_space<vmem>>, vector<16xf32>,
      %broadcast_in_dim3A_127 = arith.constant 0.000000e+00 : f32
      %broadcast_in_dim3A_128 = vector.broadcast %broadcast_in_dim3A_127 : f32 to vector<16xf32>
      %gt3A_129 = arith.cmpf ogt, %get3A_126, %broadcast_in_dim3A_128 : vector<16xf32>
      %broadcast_in_dim3A_130 = arith.constant 1.000000e+00 : f32
      %broadcast_in_dim3A_131 = vector.broadcast %broadcast_in_dim3A_130 : f32 to vector<16xf32>
      %select_n3A_132 = arith.select %gt3A_129, %get3A_126, %broadcast_in_dim3A_131 : vector<16xi1>, vector<16xf32>
      %bitcast3A_133 = vector.bitcast %select_n3A_132 : vector<16xf32> to vector<16xi32>
      %broadcast_in_dim3A_134 = arith.constant 1597463007 : i32
      %broadcast_in_dim3A_135 = vector.broadcast %broadcast_in_dim3A_134 : i32 to vector<16xi32>
      %shift_right_logical3A_136 = arith.constant 1 : i32
      %shift_right_logical3A_137 = vector.broadcast %shift_right_logical3A_136 : i32 to vector<16xi32>
      %shift_right_logical3A_138 = arith.shrui %bitcast3A_133, %shift_right_logical3A_137 : vector<16xi32>
      %sub3A_139 = arith.subi %broadcast_in_dim3A_135, %shift_right_logical3A_138 : vector<16xi32>
      %bitcast3A_140 = vector.bitcast %sub3A_139 : vector<16xi32> to vector<16xf32>
      %mul3A_141 = arith.constant 5.000000e-01 : f32
      %mul3A_142 = vector.broadcast %mul3A_141 : f32 to vector<16xf32>
      %mul3A_143 = arith.mulf %select_n3A_132, %mul3A_142 : vector<16xf32>
      %mul3A_144 = arith.mulf %mul3A_143, %bitcast3A_140 : vector<16xf32>
      %mul3A_145 = arith.mulf %mul3A_144, %bitcast3A_140 : vector<16xf32>
      %sub3A_146 = arith.constant 1.500000e+00 : f32
      %sub3A_147 = vector.broadcast %sub3A_146 : f32 to vector<16xf32>
      %sub3A_148 = arith.subf %sub3A_147, %mul3A_145 : vector<16xf32>
      %mul3A_149 = arith.mulf %bitcast3A_140, %sub3A_148 : vector<16xf32>
      %mul3A_150 = arith.mulf %mul3A_143, %mul3A_149 : vector<16xf32>
      %mul3A_151 = arith.mulf %mul3A_150, %mul3A_149 : vector<16xf32>
      %sub3A_152 = arith.constant 1.500000e+00 : f32
      %sub3A_153 = vector.broadcast %sub3A_152 : f32 to vector<16xf32>
      %sub3A_154 = arith.subf %sub3A_153, %mul3A_151 : vector<16xf32>
      %mul3A_155 = arith.mulf %mul3A_149, %sub3A_154 : vector<16xf32>
      %mul3A_156 = arith.mulf %mul3A_143, %mul3A_155 : vector<16xf32>
      %mul3A_157 = arith.mulf %mul3A_156, %mul3A_155 : vector<16xf32>
      %sub3A_158 = arith.constant 1.500000e+00 : f32
      %sub3A_159 = vector.broadcast %sub3A_158 : f32 to vector<16xf32>
      %sub3A_160 = arith.subf %sub3A_159, %mul3A_157 : vector<16xf32>
      %mul3A_161 = arith.mulf %mul3A_155, %sub3A_160 : vector<16xf32>
      %mul3A_162 = arith.mulf %mul3A_143, %mul3A_161 : vector<16xf32>
      %mul3A_163 = arith.mulf %mul3A_162, %mul3A_161 : vector<16xf32>
      %sub3A_164 = arith.constant 1.500000e+00 : f32
      %sub3A_165 = vector.broadcast %sub3A_164 : f32 to vector<16xf32>
      %sub3A_166 = arith.subf %sub3A_165, %mul3A_163 : vector<16xf32>
      %mul3A_167 = arith.mulf %mul3A_161, %sub3A_166 : vector<16xf32>
      %broadcast_in_dim3A_168 = arith.constant 0.000000e+00 : f32
      %broadcast_in_dim3A_169 = vector.broadcast %broadcast_in_dim3A_168 : f32 to vector<16xf32>
      %select_n3A_170 = arith.select %gt3A_129, %mul3A_167, %broadcast_in_dim3A_169 : vector<16xi1>, vector<16xf32>
      %swap3A_171 = arith.index_cast %add3A_29 : i32 to index
      %swap3A_172 = arith.constant 32 : index
      %swap3A_173 = tpu.vector_load %arg7[%swap3A_171, %swap3A_172] {strides = array<i32>} : memref<80x128xf32, #tpu.memory_space<vmem>>, vector<16xf32>,
      tpu.vector_store %arg7[%swap3A_171, %swap3A_172], %select_n3A_170 {strides = array<i32>} : memref<80x128xf32, #tpu.memory_space<vmem>>, vector<16xf32>,
      %get3A_174 = arith.index_cast %add3A_29 : i32 to index
      %get3A_175 = arith.constant 48 : index
      %get3A_176 = tpu.vector_load %arg7[%get3A_174, %get3A_175] {strides = array<i32>} : memref<80x128xf32, #tpu.memory_space<vmem>>, vector<16xf32>,
      %broadcast_in_dim3A_177 = arith.constant 0.000000e+00 : f32
      %broadcast_in_dim3A_178 = vector.broadcast %broadcast_in_dim3A_177 : f32 to vector<16xf32>
      %gt3A_179 = arith.cmpf ogt, %get3A_176, %broadcast_in_dim3A_178 : vector<16xf32>
      %broadcast_in_dim3A_180 = arith.constant 1.000000e+00 : f32
      %broadcast_in_dim3A_181 = vector.broadcast %broadcast_in_dim3A_180 : f32 to vector<16xf32>
      %select_n3A_182 = arith.select %gt3A_179, %get3A_176, %broadcast_in_dim3A_181 : vector<16xi1>, vector<16xf32>
      %bitcast3A_183 = vector.bitcast %select_n3A_182 : vector<16xf32> to vector<16xi32>
      %broadcast_in_dim3A_184 = arith.constant 1597463007 : i32
      %broadcast_in_dim3A_185 = vector.broadcast %broadcast_in_dim3A_184 : i32 to vector<16xi32>
      %shift_right_logical3A_186 = arith.constant 1 : i32
      %shift_right_logical3A_187 = vector.broadcast %shift_right_logical3A_186 : i32 to vector<16xi32>
      %shift_right_logical3A_188 = arith.shrui %bitcast3A_183, %shift_right_logical3A_187 : vector<16xi32>
      %sub3A_189 = arith.subi %broadcast_in_dim3A_185, %shift_right_logical3A_188 : vector<16xi32>
      %bitcast3A_190 = vector.bitcast %sub3A_189 : vector<16xi32> to vector<16xf32>
      %mul3A_191 = arith.constant 5.000000e-01 : f32
      %mul3A_192 = vector.broadcast %mul3A_191 : f32 to vector<16xf32>
      %mul3A_193 = arith.mulf %select_n3A_182, %mul3A_192 : vector<16xf32>
      %mul3A_194 = arith.mulf %mul3A_193, %bitcast3A_190 : vector<16xf32>
      %mul3A_195 = arith.mulf %mul3A_194, %bitcast3A_190 : vector<16xf32>
      %sub3A_196 = arith.constant 1.500000e+00 : f32
      %sub3A_197 = vector.broadcast %sub3A_196 : f32 to vector<16xf32>
      %sub3A_198 = arith.subf %sub3A_197, %mul3A_195 : vector<16xf32>
      %mul3A_199 = arith.mulf %bitcast3A_190, %sub3A_198 : vector<16xf32>
      %mul3A_200 = arith.mulf %mul3A_193, %mul3A_199 : vector<16xf32>
      %mul3A_201 = arith.mulf %mul3A_200, %mul3A_199 : vector<16xf32>
      %sub3A_202 = arith.constant 1.500000e+00 : f32
      %sub3A_203 = vector.broadcast %sub3A_202 : f32 to vector<16xf32>
      %sub3A_204 = arith.subf %sub3A_203, %mul3A_201 : vector<16xf32>
      %mul3A_205 = arith.mulf %mul3A_199, %sub3A_204 : vector<16xf32>
      %mul3A_206 = arith.mulf %mul3A_193, %mul3A_205 : vector<16xf32>
      %mul3A_207 = arith.mulf %mul3A_206, %mul3A_205 : vector<16xf32>
      %sub3A_208 = arith.constant 1.500000e+00 : f32
      %sub3A_209 = vector.broadcast %sub3A_208 : f32 to vector<16xf32>
      %sub3A_210 = arith.subf %sub3A_209, %mul3A_207 : vector<16xf32>
      %mul3A_211 = arith.mulf %mul3A_205, %sub3A_210 : vector<16xf32>
      %mul3A_212 = arith.mulf %mul3A_193, %mul3A_211 : vector<16xf32>
      %mul3A_213 = arith.mulf %mul3A_212, %mul3A_211 : vector<16xf32>
      %sub3A_214 = arith.constant 1.500000e+00 : f32
      %sub3A_215 = vector.broadcast %sub3A_214 : f32 to vector<16xf32>
      %sub3A_216 = arith.subf %sub3A_215, %mul3A_213 : vector<16xf32>
      %mul3A_217 = arith.mulf %mul3A_211, %sub3A_216 : vector<16xf32>
      %broadcast_in_dim3A_218 = arith.constant 0.000000e+00 : f32
      %broadcast_in_dim3A_219 = vector.broadcast %broadcast_in_dim3A_218 : f32 to vector<16xf32>
      %select_n3A_220 = arith.select %gt3A_179, %mul3A_217, %broadcast_in_dim3A_219 : vector<16xi1>, vector<16xf32>
      %swap3A_221 = arith.index_cast %add3A_29 : i32 to index
      %swap3A_222 = arith.constant 48 : index
      %swap3A_223 = tpu.vector_load %arg7[%swap3A_221, %swap3A_222] {strides = array<i32>} : memref<80x128xf32, #tpu.memory_space<vmem>>, vector<16xf32>,
      tpu.vector_store %arg7[%swap3A_221, %swap3A_222], %select_n3A_220 {strides = array<i32>} : memref<80x128xf32, #tpu.memory_space<vmem>>, vector<16xf32>,
      %get3A_224 = arith.index_cast %add3A_29 : i32 to index
      %get3A_225 = arith.constant 64 : index
      %get3A_226 = tpu.vector_load %arg7[%get3A_224, %get3A_225] {strides = array<i32>} : memref<80x128xf32, #tpu.memory_space<vmem>>, vector<16xf32>,
      %broadcast_in_dim3A_227 = arith.constant 0.000000e+00 : f32
      %broadcast_in_dim3A_228 = vector.broadcast %broadcast_in_dim3A_227 : f32 to vector<16xf32>
      %gt3A_229 = arith.cmpf ogt, %get3A_226, %broadcast_in_dim3A_228 : vector<16xf32>
      %broadcast_in_dim3A_230 = arith.constant 1.000000e+00 : f32
      %broadcast_in_dim3A_231 = vector.broadcast %broadcast_in_dim3A_230 : f32 to vector<16xf32>
      %select_n3A_232 = arith.select %gt3A_229, %get3A_226, %broadcast_in_dim3A_231 : vector<16xi1>, vector<16xf32>
      %bitcast3A_233 = vector.bitcast %select_n3A_232 : vector<16xf32> to vector<16xi32>
      %broadcast_in_dim3A_234 = arith.constant 1597463007 : i32
      %broadcast_in_dim3A_235 = vector.broadcast %broadcast_in_dim3A_234 : i32 to vector<16xi32>
      %shift_right_logical3A_236 = arith.constant 1 : i32
      %shift_right_logical3A_237 = vector.broadcast %shift_right_logical3A_236 : i32 to vector<16xi32>
      %shift_right_logical3A_238 = arith.shrui %bitcast3A_233, %shift_right_logical3A_237 : vector<16xi32>
      %sub3A_239 = arith.subi %broadcast_in_dim3A_235, %shift_right_logical3A_238 : vector<16xi32>
      %bitcast3A_240 = vector.bitcast %sub3A_239 : vector<16xi32> to vector<16xf32>
      %mul3A_241 = arith.constant 5.000000e-01 : f32
      %mul3A_242 = vector.broadcast %mul3A_241 : f32 to vector<16xf32>
      %mul3A_243 = arith.mulf %select_n3A_232, %mul3A_242 : vector<16xf32>
      %mul3A_244 = arith.mulf %mul3A_243, %bitcast3A_240 : vector<16xf32>
      %mul3A_245 = arith.mulf %mul3A_244, %bitcast3A_240 : vector<16xf32>
      %sub3A_246 = arith.constant 1.500000e+00 : f32
      %sub3A_247 = vector.broadcast %sub3A_246 : f32 to vector<16xf32>
      %sub3A_248 = arith.subf %sub3A_247, %mul3A_245 : vector<16xf32>
      %mul3A_249 = arith.mulf %bitcast3A_240, %sub3A_248 : vector<16xf32>
      %mul3A_250 = arith.mulf %mul3A_243, %mul3A_249 : vector<16xf32>
      %mul3A_251 = arith.mulf %mul3A_250, %mul3A_249 : vector<16xf32>
      %sub3A_252 = arith.constant 1.500000e+00 : f32
      %sub3A_253 = vector.broadcast %sub3A_252 : f32 to vector<16xf32>
      %sub3A_254 = arith.subf %sub3A_253, %mul3A_251 : vector<16xf32>
      %mul3A_255 = arith.mulf %mul3A_249, %sub3A_254 : vector<16xf32>
      %mul3A_256 = arith.mulf %mul3A_243, %mul3A_255 : vector<16xf32>
      %mul3A_257 = arith.mulf %mul3A_256, %mul3A_255 : vector<16xf32>
      %sub3A_258 = arith.constant 1.500000e+00 : f32
      %sub3A_259 = vector.broadcast %sub3A_258 : f32 to vector<16xf32>
      %sub3A_260 = arith.subf %sub3A_259, %mul3A_257 : vector<16xf32>
      %mul3A_261 = arith.mulf %mul3A_255, %sub3A_260 : vector<16xf32>
      %mul3A_262 = arith.mulf %mul3A_243, %mul3A_261 : vector<16xf32>
      %mul3A_263 = arith.mulf %mul3A_262, %mul3A_261 : vector<16xf32>
      %sub3A_264 = arith.constant 1.500000e+00 : f32
      %sub3A_265 = vector.broadcast %sub3A_264 : f32 to vector<16xf32>
      %sub3A_266 = arith.subf %sub3A_265, %mul3A_263 : vector<16xf32>
      %mul3A_267 = arith.mulf %mul3A_261, %sub3A_266 : vector<16xf32>
      %broadcast_in_dim3A_268 = arith.constant 0.000000e+00 : f32
      %broadcast_in_dim3A_269 = vector.broadcast %broadcast_in_dim3A_268 : f32 to vector<16xf32>
      %select_n3A_270 = arith.select %gt3A_229, %mul3A_267, %broadcast_in_dim3A_269 : vector<16xi1>, vector<16xf32>
      %swap3A_271 = arith.index_cast %add3A_29 : i32 to index
      %swap3A_272 = arith.constant 64 : index
      %swap3A_273 = tpu.vector_load %arg7[%swap3A_271, %swap3A_272] {strides = array<i32>} : memref<80x128xf32, #tpu.memory_space<vmem>>, vector<16xf32>,
      tpu.vector_store %arg7[%swap3A_271, %swap3A_272], %select_n3A_270 {strides = array<i32>} : memref<80x128xf32, #tpu.memory_space<vmem>>, vector<16xf32>,
      %get3A_274 = arith.index_cast %add3A_29 : i32 to index
      %get3A_275 = arith.constant 80 : index
      %get3A_276 = tpu.vector_load %arg7[%get3A_274, %get3A_275] {strides = array<i32>} : memref<80x128xf32, #tpu.memory_space<vmem>>, vector<16xf32>,
      %broadcast_in_dim3A_277 = arith.constant 0.000000e+00 : f32
      %broadcast_in_dim3A_278 = vector.broadcast %broadcast_in_dim3A_277 : f32 to vector<16xf32>
      %gt3A_279 = arith.cmpf ogt, %get3A_276, %broadcast_in_dim3A_278 : vector<16xf32>
      %broadcast_in_dim3A_280 = arith.constant 1.000000e+00 : f32
      %broadcast_in_dim3A_281 = vector.broadcast %broadcast_in_dim3A_280 : f32 to vector<16xf32>
      %select_n3A_282 = arith.select %gt3A_279, %get3A_276, %broadcast_in_dim3A_281 : vector<16xi1>, vector<16xf32>
      %bitcast3A_283 = vector.bitcast %select_n3A_282 : vector<16xf32> to vector<16xi32>
      %broadcast_in_dim3A_284 = arith.constant 1597463007 : i32
      %broadcast_in_dim3A_285 = vector.broadcast %broadcast_in_dim3A_284 : i32 to vector<16xi32>
      %shift_right_logical3A_286 = arith.constant 1 : i32
      %shift_right_logical3A_287 = vector.broadcast %shift_right_logical3A_286 : i32 to vector<16xi32>
      %shift_right_logical3A_288 = arith.shrui %bitcast3A_283, %shift_right_logical3A_287 : vector<16xi32>
      %sub3A_289 = arith.subi %broadcast_in_dim3A_285, %shift_right_logical3A_288 : vector<16xi32>
      %bitcast3A_290 = vector.bitcast %sub3A_289 : vector<16xi32> to vector<16xf32>
      %mul3A_291 = arith.constant 5.000000e-01 : f32
      %mul3A_292 = vector.broadcast %mul3A_291 : f32 to vector<16xf32>
      %mul3A_293 = arith.mulf %select_n3A_282, %mul3A_292 : vector<16xf32>
      %mul3A_294 = arith.mulf %mul3A_293, %bitcast3A_290 : vector<16xf32>
      %mul3A_295 = arith.mulf %mul3A_294, %bitcast3A_290 : vector<16xf32>
      %sub3A_296 = arith.constant 1.500000e+00 : f32
      %sub3A_297 = vector.broadcast %sub3A_296 : f32 to vector<16xf32>
      %sub3A_298 = arith.subf %sub3A_297, %mul3A_295 : vector<16xf32>
      %mul3A_299 = arith.mulf %bitcast3A_290, %sub3A_298 : vector<16xf32>
      %mul3A_300 = arith.mulf %mul3A_293, %mul3A_299 : vector<16xf32>
      %mul3A_301 = arith.mulf %mul3A_300, %mul3A_299 : vector<16xf32>
      %sub3A_302 = arith.constant 1.500000e+00 : f32
      %sub3A_303 = vector.broadcast %sub3A_302 : f32 to vector<16xf32>
      %sub3A_304 = arith.subf %sub3A_303, %mul3A_301 : vector<16xf32>
      %mul3A_305 = arith.mulf %mul3A_299, %sub3A_304 : vector<16xf32>
      %mul3A_306 = arith.mulf %mul3A_293, %mul3A_305 : vector<16xf32>
      %mul3A_307 = arith.mulf %mul3A_306, %mul3A_305 : vector<16xf32>
      %sub3A_308 = arith.constant 1.500000e+00 : f32
      %sub3A_309 = vector.broadcast %sub3A_308 : f32 to vector<16xf32>
      %sub3A_310 = arith.subf %sub3A_309, %mul3A_307 : vector<16xf32>
      %mul3A_311 = arith.mulf %mul3A_305, %sub3A_310 : vector<16xf32>
      %mul3A_312 = arith.mulf %mul3A_293, %mul3A_311 : vector<16xf32>
      %mul3A_313 = arith.mulf %mul3A_312, %mul3A_311 : vector<16xf32>
      %sub3A_314 = arith.constant 1.500000e+00 : f32
      %sub3A_315 = vector.broadcast %sub3A_314 : f32 to vector<16xf32>
      %sub3A_316 = arith.subf %sub3A_315, %mul3A_313 : vector<16xf32>
      %mul3A_317 = arith.mulf %mul3A_311, %sub3A_316 : vector<16xf32>
      %broadcast_in_dim3A_318 = arith.constant 0.000000e+00 : f32
      %broadcast_in_dim3A_319 = vector.broadcast %broadcast_in_dim3A_318 : f32 to vector<16xf32>
      %select_n3A_320 = arith.select %gt3A_279, %mul3A_317, %broadcast_in_dim3A_319 : vector<16xi1>, vector<16xf32>
      %swap3A_321 = arith.index_cast %add3A_29 : i32 to index
      %swap3A_322 = arith.constant 80 : index
      %swap3A_323 = tpu.vector_load %arg7[%swap3A_321, %swap3A_322] {strides = array<i32>} : memref<80x128xf32, #tpu.memory_space<vmem>>, vector<16xf32>,
      tpu.vector_store %arg7[%swap3A_321, %swap3A_322], %select_n3A_320 {strides = array<i32>} : memref<80x128xf32, #tpu.memory_space<vmem>>, vector<16xf32>,
      %get3A_324 = arith.index_cast %add3A_29 : i32 to index
      %get3A_325 = arith.constant 96 : index
      %get3A_326 = tpu.vector_load %arg7[%get3A_324, %get3A_325] {strides = array<i32>} : memref<80x128xf32, #tpu.memory_space<vmem>>, vector<16xf32>,
      %broadcast_in_dim3A_327 = arith.constant 0.000000e+00 : f32
      %broadcast_in_dim3A_328 = vector.broadcast %broadcast_in_dim3A_327 : f32 to vector<16xf32>
      %gt3A_329 = arith.cmpf ogt, %get3A_326, %broadcast_in_dim3A_328 : vector<16xf32>
      %broadcast_in_dim3A_330 = arith.constant 1.000000e+00 : f32
      %broadcast_in_dim3A_331 = vector.broadcast %broadcast_in_dim3A_330 : f32 to vector<16xf32>
      %select_n3A_332 = arith.select %gt3A_329, %get3A_326, %broadcast_in_dim3A_331 : vector<16xi1>, vector<16xf32>
      %bitcast3A_333 = vector.bitcast %select_n3A_332 : vector<16xf32> to vector<16xi32>
      %broadcast_in_dim3A_334 = arith.constant 1597463007 : i32
      %broadcast_in_dim3A_335 = vector.broadcast %broadcast_in_dim3A_334 : i32 to vector<16xi32>
      %shift_right_logical3A_336 = arith.constant 1 : i32
      %shift_right_logical3A_337 = vector.broadcast %shift_right_logical3A_336 : i32 to vector<16xi32>
      %shift_right_logical3A_338 = arith.shrui %bitcast3A_333, %shift_right_logical3A_337 : vector<16xi32>
      %sub3A_339 = arith.subi %broadcast_in_dim3A_335, %shift_right_logical3A_338 : vector<16xi32>
      %bitcast3A_340 = vector.bitcast %sub3A_339 : vector<16xi32> to vector<16xf32>
      %mul3A_341 = arith.constant 5.000000e-01 : f32
      %mul3A_342 = vector.broadcast %mul3A_341 : f32 to vector<16xf32>
      %mul3A_343 = arith.mulf %select_n3A_332, %mul3A_342 : vector<16xf32>
      %mul3A_344 = arith.mulf %mul3A_343, %bitcast3A_340 : vector<16xf32>
      %mul3A_345 = arith.mulf %mul3A_344, %bitcast3A_340 : vector<16xf32>
      %sub3A_346 = arith.constant 1.500000e+00 : f32
      %sub3A_347 = vector.broadcast %sub3A_346 : f32 to vector<16xf32>
      %sub3A_348 = arith.subf %sub3A_347, %mul3A_345 : vector<16xf32>
      %mul3A_349 = arith.mulf %bitcast3A_340, %sub3A_348 : vector<16xf32>
      %mul3A_350 = arith.mulf %mul3A_343, %mul3A_349 : vector<16xf32>
      %mul3A_351 = arith.mulf %mul3A_350, %mul3A_349 : vector<16xf32>
      %sub3A_352 = arith.constant 1.500000e+00 : f32
      %sub3A_353 = vector.broadcast %sub3A_352 : f32 to vector<16xf32>
      %sub3A_354 = arith.subf %sub3A_353, %mul3A_351 : vector<16xf32>
      %mul3A_355 = arith.mulf %mul3A_349, %sub3A_354 : vector<16xf32>
      %mul3A_356 = arith.mulf %mul3A_343, %mul3A_355 : vector<16xf32>
      %mul3A_357 = arith.mulf %mul3A_356, %mul3A_355 : vector<16xf32>
      %sub3A_358 = arith.constant 1.500000e+00 : f32
      %sub3A_359 = vector.broadcast %sub3A_358 : f32 to vector<16xf32>
      %sub3A_360 = arith.subf %sub3A_359, %mul3A_357 : vector<16xf32>
      %mul3A_361 = arith.mulf %mul3A_355, %sub3A_360 : vector<16xf32>
      %mul3A_362 = arith.mulf %mul3A_343, %mul3A_361 : vector<16xf32>
      %mul3A_363 = arith.mulf %mul3A_362, %mul3A_361 : vector<16xf32>
      %sub3A_364 = arith.constant 1.500000e+00 : f32
      %sub3A_365 = vector.broadcast %sub3A_364 : f32 to vector<16xf32>
      %sub3A_366 = arith.subf %sub3A_365, %mul3A_363 : vector<16xf32>
      %mul3A_367 = arith.mulf %mul3A_361, %sub3A_366 : vector<16xf32>
      %broadcast_in_dim3A_368 = arith.constant 0.000000e+00 : f32
      %broadcast_in_dim3A_369 = vector.broadcast %broadcast_in_dim3A_368 : f32 to vector<16xf32>
      %select_n3A_370 = arith.select %gt3A_329, %mul3A_367, %broadcast_in_dim3A_369 : vector<16xi1>, vector<16xf32>
      %swap3A_371 = arith.index_cast %add3A_29 : i32 to index
      %swap3A_372 = arith.constant 96 : index
      %swap3A_373 = tpu.vector_load %arg7[%swap3A_371, %swap3A_372] {strides = array<i32>} : memref<80x128xf32, #tpu.memory_space<vmem>>, vector<16xf32>,
      tpu.vector_store %arg7[%swap3A_371, %swap3A_372], %select_n3A_370 {strides = array<i32>} : memref<80x128xf32, #tpu.memory_space<vmem>>, vector<16xf32>,
      %get3A_374 = arith.index_cast %add3A_29 : i32 to index
      %get3A_375 = arith.constant 112 : index
      %get3A_376 = tpu.vector_load %arg7[%get3A_374, %get3A_375] {strides = array<i32>} : memref<80x128xf32, #tpu.memory_space<vmem>>, vector<16xf32>,
      %broadcast_in_dim3A_377 = arith.constant 0.000000e+00 : f32
      %broadcast_in_dim3A_378 = vector.broadcast %broadcast_in_dim3A_377 : f32 to vector<16xf32>
      %gt3A_379 = arith.cmpf ogt, %get3A_376, %broadcast_in_dim3A_378 : vector<16xf32>
      %broadcast_in_dim3A_380 = arith.constant 1.000000e+00 : f32
      %broadcast_in_dim3A_381 = vector.broadcast %broadcast_in_dim3A_380 : f32 to vector<16xf32>
      %select_n3A_382 = arith.select %gt3A_379, %get3A_376, %broadcast_in_dim3A_381 : vector<16xi1>, vector<16xf32>
      %bitcast3A_383 = vector.bitcast %select_n3A_382 : vector<16xf32> to vector<16xi32>
      %broadcast_in_dim3A_384 = arith.constant 1597463007 : i32
      %broadcast_in_dim3A_385 = vector.broadcast %broadcast_in_dim3A_384 : i32 to vector<16xi32>
      %shift_right_logical3A_386 = arith.constant 1 : i32
      %shift_right_logical3A_387 = vector.broadcast %shift_right_logical3A_386 : i32 to vector<16xi32>
      %shift_right_logical3A_388 = arith.shrui %bitcast3A_383, %shift_right_logical3A_387 : vector<16xi32>
      %sub3A_389 = arith.subi %broadcast_in_dim3A_385, %shift_right_logical3A_388 : vector<16xi32>
      %bitcast3A_390 = vector.bitcast %sub3A_389 : vector<16xi32> to vector<16xf32>
      %mul3A_391 = arith.constant 5.000000e-01 : f32
      %mul3A_392 = vector.broadcast %mul3A_391 : f32 to vector<16xf32>
      %mul3A_393 = arith.mulf %select_n3A_382, %mul3A_392 : vector<16xf32>
      %mul3A_394 = arith.mulf %mul3A_393, %bitcast3A_390 : vector<16xf32>
      %mul3A_395 = arith.mulf %mul3A_394, %bitcast3A_390 : vector<16xf32>
      %sub3A_396 = arith.constant 1.500000e+00 : f32
      %sub3A_397 = vector.broadcast %sub3A_396 : f32 to vector<16xf32>
      %sub3A_398 = arith.subf %sub3A_397, %mul3A_395 : vector<16xf32>
      %mul3A_399 = arith.mulf %bitcast3A_390, %sub3A_398 : vector<16xf32>
      %mul3A_400 = arith.mulf %mul3A_393, %mul3A_399 : vector<16xf32>
      %mul3A_401 = arith.mulf %mul3A_400, %mul3A_399 : vector<16xf32>
      %sub3A_402 = arith.constant 1.500000e+00 : f32
      %sub3A_403 = vector.broadcast %sub3A_402 : f32 to vector<16xf32>
      %sub3A_404 = arith.subf %sub3A_403, %mul3A_401 : vector<16xf32>
      %mul3A_405 = arith.mulf %mul3A_399, %sub3A_404 : vector<16xf32>
      %mul3A_406 = arith.mulf %mul3A_393, %mul3A_405 : vector<16xf32>
      %mul3A_407 = arith.mulf %mul3A_406, %mul3A_405 : vector<16xf32>
      %sub3A_408 = arith.constant 1.500000e+00 : f32
      %sub3A_409 = vector.broadcast %sub3A_408 : f32 to vector<16xf32>
      %sub3A_410 = arith.subf %sub3A_409, %mul3A_407 : vector<16xf32>
      %mul3A_411 = arith.mulf %mul3A_405, %sub3A_410 : vector<16xf32>
      %mul3A_412 = arith.mulf %mul3A_393, %mul3A_411 : vector<16xf32>
      %mul3A_413 = arith.mulf %mul3A_412, %mul3A_411 : vector<16xf32>
      %sub3A_414 = arith.constant 1.500000e+00 : f32
      %sub3A_415 = vector.broadcast %sub3A_414 : f32 to vector<16xf32>
      %sub3A_416 = arith.subf %sub3A_415, %mul3A_413 : vector<16xf32>
      %mul3A_417 = arith.mulf %mul3A_411, %sub3A_416 : vector<16xf32>
      %broadcast_in_dim3A_418 = arith.constant 0.000000e+00 : f32
      %broadcast_in_dim3A_419 = vector.broadcast %broadcast_in_dim3A_418 : f32 to vector<16xf32>
      %select_n3A_420 = arith.select %gt3A_379, %mul3A_417, %broadcast_in_dim3A_419 : vector<16xi1>, vector<16xf32>
      %swap3A_421 = arith.index_cast %add3A_29 : i32 to index
      %swap3A_422 = arith.constant 112 : index
      %swap3A_423 = tpu.vector_load %arg7[%swap3A_421, %swap3A_422] {strides = array<i32>} : memref<80x128xf32, #tpu.memory_space<vmem>>, vector<16xf32>,
      tpu.vector_store %arg7[%swap3A_421, %swap3A_422], %select_n3A_420 {strides = array<i32>} : memref<80x128xf32, #tpu.memory_space<vmem>>, vector<16xf32>,
    }
    %scan3A_19 = arith.constant 80 : i32
    %eq3A_20 = arith.constant 0 : i32
    %eq3A_21 = arith.cmpi eq, %arg0, %eq3A_20 : i32
    %eq3A_22 = arith.constant 0 : i32
    %eq3A_23 = arith.cmpi eq, %arg1, %eq3A_22 : i32
    %and3A = arith.andi %eq3A_21, %eq3A_23 : i1
    %convert_element_type3A_24 = arith.extui %and3A : i1 to i32
    %cond3A_25 = arith.constant 0 : i32
    %cond3A_26 = arith.cmpi ne, %convert_element_type3A_24, %cond3A_25 : i32
    scf.if %cond3A_26 {
      "tpu.region"() ({
        %run_scoped3A_27 = tpu.sem_alloc : memref<!tpu.dma_semaphore, #tpu.memory_space<semaphore_mem>>
        tpu.enqueue_dma source(%arg7 : memref<80x128xf32, #tpu.memory_space<vmem>>) target(%arg5 : memref<80x128xf32, #tpu.memory_space<hbm>>) target_semaphore(%run_scoped3A_27 : memref<!tpu.dma_semaphore, #tpu.memory_space<semaphore_mem>>)
        tpu.wait_dma2 semaphore(%run_scoped3A_27 : memref<!tpu.dma_semaphore, #tpu.memory_space<semaphore_mem>>) src(%arg7 : memref<80x128xf32, #tpu.memory_space<vmem>>) dst(%arg5 : memref<80x128xf32, #tpu.memory_space<hbm>>)
        tpu.yield
      }) : () -> ()
    } else {
    }
    return
  }
}

</mosaic_0001>

<sc_bundles>
// kernel: _deg_kernel.3.cloned.1.call-start
scs
__scs_entry_jumppad:
0x0: {  	(pc) =	sbr.rel $0x88, $3  }
0x1: {  	(tag) =	ssettag $0x0;
	lr =	simm.s32 $0x1  }
0x2: {  	[smem:$0x3F9E] =	sst lr;
	_ =	strace $0xD0000000  }
0x3: {  	_ = 	snop  }
0x4: {  	_ = 	snop  }
0x5: {  	_ = 	snop  }
0x6: {  	_ = 	snop  }
0x7: {  	_ = 	snop  }
__scs_overlays_trampoline_lowered:
0x8: {  	[smem:$0x3FAD] =	sst s0  }
0x9: {  	[smem:$0x3FAE] =	sst s1  }
0xa: {  	[smem:$0x3FAF] =	sst s2  }
0xb: {  	[smem:$0x3FB0] =	sst s3  }
0xc: {  	[smem:$0x3FB1] =	sst s4  }
0xd: {  	[smem:$0x3FB2] =	sst s5  }
0xe: {  	[smem:$0x3FB3] =	sst s6  }
0xf: {  	[smem:$0x3FB4] =	sst s7  }
0x10: {  	[smem:$0x3FB5] =	sst s8  }
0x11: {  	[smem:$0x3FB6] =	sst s9;
	s0 =	simm.s32 @!p0 $0x0  }
0x12: {  	s1 =	sld [smem:$0x3F9C];
	s0 =	simm.s32 @p0 $0x1  }
0x13: {  	[smem:$0x3FB7] =	sst s0;
	s0 =	simm.s32 @!p1 $0x0  }
0x14: {  	s2 =	sld [smem:$0x3F9B];
	s0 =	simm.s32 @p1 $0x1  }
0x15: {  	[smem:$0x3FB8] =	sst s0;
	s0 =	simm.s32 @!p2 $0x0  }
0x16: {  	s3 =	sld [smem:$0x3FDB];
	s0 =	simm.s32 @p2 $0x1  }
0x17: {  	s4 =	simm.s32 $0x1BF5;
	[smem:$0x3FBA] =	sst s0  }
0x18: {  	s0 =	sld [smem:$0x3F9D];
	_ =	swait.ge [sflag:s4], $0x0  }
0x19: {  	s7 =	sld [smem:$0x3F9E]  }
0x1a: {  	s8 =	sadd.s32 $0xFFFFE003, lr  }
0x1b: {  	s9 =	sadd.s32 $0xFFFFFEF7, lr;
	s5 =	simm.s32 $0xFFFFFFFF;
	p2 =	slt.u32 s8, $0xFFFFF086  }
0x1c: {  	p1 =	slt.u32 s9, $0xF7A;
	s5 =	simm.s32 @!p2 $0x0  }
0x1d: {  	s5 =	simm.s32 @p1 $0x1;
	p0 =	seq.s32 s7, s2  }
0x1e: {  	s7 =	smul.u32 @!p0 $0xF7A, s2;
	p2 =	seq.s32 @!p0 s5, $0x0  }
0x1f: {  	s9 =	smul.u32 $0xF7A, s1;
	s8 =	simm.s32 @!p0 $0x1BF5;
	p2 =	por !p2, p0  }
0x20: {  	[sflag:s8] =	ssyncset.s32 @!p0 $0xFFFFF086;
	s6 =	sadd.s32 @!p0 s3, s7;
	s7 =	simm.s32 @!p0 $0x108  }
0x21: {  	s3 =	sadd.s32 s3, s9;
	s6 =	sadd.s32 @!p0 $0x88, s6;
	s7 =	simm.s32 @p2 $0x1082  }
0x22: {  	[simem:s7], [sflag:s8] =	dma.local @!p0 [hbm:s6], $0xF7A  }
0x23: {  	s9 =	sor.u32 $0xD0000000, s2;
	s6 =	simm.s32 $0x108;
	_ =	swait.ge @!p0 [sflag:s8], $0x0  }
0x24: {  	s3 =	sadd.s32 $0x88, s3;
	s6 =	simm.s32 @!p1 $0x1082;
	[sflag:s4] =	ssyncset.s32 $0xFFFFF086  }
0x25: {  	[simem:s6], [sflag:s4] =	dma.local [hbm:s3], $0xF7A  }
0x26: {  	[smem:$0x3F9E] =	sst s1;
	(tag) =	ssettag s2;
	_ =	strace s9  }
0x27: {  	s1 =	sld [smem:$0x3FAE]  }
0x28: {  	s2 =	sld [smem:$0x3FAF]  }
0x29: {  	s4 =	sld [smem:$0x3FB1]  }
0x2a: {  	p0 =	seq.s32 s5, $0x0;
	s5 =	sld [smem:$0x3FB2]  }
0x2b: {  	s6 =	sld [smem:$0x3FB3]  }
0x2c: {  	s7 =	sld [smem:$0x3FB4]  }
0x2d: {  	s3 =	simm.s32 $0x108;
	s8 =	sld [smem:$0x3FB5]  }
0x2e: {  	s3 =	simm.s32 @!p0 $0x1082;
	s9 =	sld [smem:$0x3FB6]  }
0x2f: {  	lr =	sadd.s32 s0, s3;
	s0 =	sld [smem:$0x3FAD]  }
0x30: {  	s3 =	sld [smem:$0x3FB0]  }
0x31: {  	[smem:$0x3FB9] =	sst s10  }
0x32: {  	s10 =	sld [smem:$0x3FB7];
	_ =	sdelay $0x3  }
0x33: {  	p0 =	seq.s32 s10, $0x1;
	s10 =	sld [smem:$0x3FB9];
	_ =	sdelay $0x3  }
0x34: {  	[smem:$0x3FB9] =	sst s10  }
0x35: {  	s10 =	sld [smem:$0x3FB8];
	_ =	sdelay $0x3  }
0x36: {  	p1 =	seq.s32 s10, $0x1;
	s10 =	sld [smem:$0x3FB9];
	_ =	sdelay $0x3  }
0x37: {  	[smem:$0x3FB9] =	sst s10  }
0x38: {  	s10 =	sld [smem:$0x3FBA]  }
0x39: {  	_ = 	snop;
	(pc) =	sbr.ind lr, $3  }
0x3a: {  	_ = 	snop  }
0x3b: {  	_ = 	snop  }
0x3c: {  	p2 =	seq.s32 s10, $0x1;
	s10 =	sld [smem:$0x3FB9]  }
0x3d: {  	_ =	shalt  }
0x3e: {  	_ =	shalt  }
0x3f: {  	_ =	shalt  }
0x40: {  	_ =	shalt  }
0x41: {  	_ =	shalt  }
0x42: {  	_ =	shalt  }
0x43: {  	_ =	shalt  }
0x44: {  	_ =	shalt  }
0x45: {  	_ =	shalt  }
0x46: {  	_ =	shalt  }
0x47: {  	_ =	shalt  }
0x48: {  	_ =	shalt  }
0x49: {  	_ =	shalt  }
0x4a: {  	_ =	shalt  }
0x4b: {  	_ =	shalt  }
0x4c: {  	_ =	shalt  }
0x4d: {  	_ =	shalt  }
0x4e: {  	_ =	shalt  }
0x4f: {  	_ =	shalt  }
0x50: {  	_ =	shalt  }
0x51: {  	_ =	shalt  }
0x52: {  	_ =	shalt  }
0x53: {  	_ =	shalt  }
0x54: {  	_ =	shalt  }
0x55: {  	_ =	shalt  }
0x56: {  	_ =	shalt  }
0x57: {  	_ =	shalt  }
0x58: {  	_ =	shalt  }
0x59: {  	_ =	shalt  }
0x5a: {  	_ =	shalt  }
0x5b: {  	_ =	shalt  }
0x5c: {  	_ =	shalt  }
0x5d: {  	_ =	shalt  }
0x5e: {  	_ =	shalt  }
0x5f: {  	_ =	shalt  }
0x60: {  	_ =	shalt  }
0x61: {  	_ =	shalt  }
0x62: {  	_ =	shalt  }
0x63: {  	_ =	shalt  }
0x64: {  	_ =	shalt  }
0x65: {  	_ =	shalt  }
0x66: {  	_ =	shalt  }
0x67: {  	_ =	shalt  }
0x68: {  	_ =	shalt  }
0x69: {  	_ =	shalt  }
0x6a: {  	_ =	shalt  }
0x6b: {  	_ =	shalt  }
0x6c: {  	_ =	shalt  }
0x6d: {  	_ =	shalt  }
0x6e: {  	_ =	shalt  }
0x6f: {  	_ =	shalt  }
0x70: {  	_ =	shalt  }
0x71: {  	_ =	shalt  }
0x72: {  	_ =	shalt  }
0x73: {  	_ =	shalt  }
0x74: {  	_ =	shalt  }
0x75: {  	_ =	shalt  }
0x76: {  	_ =	shalt  }
0x77: {  	_ =	shalt  }
0x78: {  	_ =	shalt  }
0x79: {  	_ =	shalt  }
0x7a: {  	_ =	shalt  }
0x7b: {  	_ =	shalt  }
0x7c: {  	_ =	shalt  }
0x7d: {  	_ =	shalt  }
0x7e: {  	_ =	shalt  }
0x7f: {  	_ =	shalt  }
0x80: {  	_ =	shalt  }
0x81: {  	_ =	shalt  }
0x82: {  	_ =	shalt  }
0x83: {  	_ =	shalt  }
0x84: {  	_ =	shalt  }
0x85: {  	_ =	shalt  }
0x86: {  	_ =	shalt  }
0x87: {  	_ =	shalt  }
.Lfunc_end0:
.L_simem_size_0:
called_computation_lowered:
.L_overlay_start_0:
0x88: {  	s2 =	sld [smem:$0x3FD9]  }
0x89: {  	s3 =	sld [smem:$0x3FFE];
	_ =	sdelay $0x1  }
0x8a: {  	s1 =	srdreg.scid  }
0x8b: {  	s0 =	sand.u32 $0x1, s1  }
0x8c: {  	s17 =	sshll.u32 s0, $0xA;
	s2 =	sadd.s32 s3, s2  }
0x8d: {  	s2 =	sadd.s32 s2, s17  }
0x8e: {  	[smem:$0x3FC5] =	sst s2  }
0x8f: {  	_ = 	snop  }
0x90: {  	s2 =	sld [smem:$0x3FC8]  }
0x91: {  	s18 =	sld [smem:$0x3FC7]  }
0x92: {  	s4 =	sld [smem:$0x3FD0];
	(tm) =	ssettm $0x1  }
0x93: {  	s5 =	sld [smem:$0x3FFB];
	_ =	sdelay $0x3  }
0x94: {  	_ =	strace s5  }
0x95: {  	s5 =	sld [smem:$0x3FFC];
	_ =	sdelay $0x3  }
0x96: {  	_ =	strace s5  }
0x97: {  	s5 =	sld [smem:$0x3FFD];
	_ =	sdelay $0x3  }
0x98: {  	_ =	strace s5  }
0x99: {  	_ =	strace $0x8FFFFFFF  }
0x9a: {  	s19 =	sld [smem:$0x3FDB];
	_ =	sdelay $0x1  }
0x9b: {  	s6 =	simm.s32 $_scs_section_size  }
0x9c: {  	s7 =	simm.s32 $_size__tile_overlayer_lowered;
	s8 =	simm.s32 $_tile_overlayer_lowered  }
0x9d: {  	s22 =	simm.s32 $0x1BFF;
	s21 =	sshll.u32 s8, $0x1;
	s5 =	sadd.s32 s6, s19  }
0x9e: {  	s9 =	simm.s32 $0x0;
	s20 =	sshll.u32 s7, $0x1;
	s7 =	sadd.s32 s21, s5  }
0x9f: {  	[timem:s9], [sflag:s22] =	dma.local [hbm:s7], s20  }
0xa0: {  	_ =	swait.ge [sflag:s22], s20  }
0xa1: {  	s6 =	ssub.s32 $0x0, s20;
	[sflag:s22] =	ssyncset.done $0x0  }
0xa2: {  	[sflag:s22] =	ssyncadd.s32 s6;
	_ =	sdelay $0x1  }
0xa3: {  	s23 =	simm.s32 $0x1B8B  }
0xa4: {  	_ =	swait.ge [sflag:s23], $0x1  }
0xa5: {  	[sflag:s23] =	ssyncset.done $0x0  }
0xa6: {  	s25 =	simm.s32 $0x1B8E;
	s24 =	sld [smem:$0x3FFE];
	[sflag:s23] =	ssyncadd.s32 $0xFFFFFFFF  }
0xa7: {  	s26 =	simm.s32 $execute0_lowered;
	[smem:$0x3FD2] =	sst s25  }
0xa8: {  	s7 =	sshll.u32 s26, $0x1;
	_ =	strace $0x80000046;
	[dreg:$0x1] =	wrdreg $0xFFFFFFFF  }
0xa9: {  	s28 =	simm.s32 $_size_execute0_lowered;
	s5 =	sadd.s32 s5, s7;
	[dreg:$0x0] =	wrdreg $0x0  }
0xaa: {  	s7 =	sshll.u32 s28, $0x1;
	[dreg:$0x2] =	wrdreg s5  }
0xab: {  	[dreg:$0x3] =	wrdreg s7  }
0xac: {  	[dreg:$0x4] =	wrdreg $0xC0  }
0xad: {  	_ =	task [dreg:s9], $0x5FFFF  }
0xae: {  	[dreg:$0x1] =	wrdreg $0xFFFFFFFF  }
0xaf: {  	[dreg:$0x0] =	wrdreg $0x60  }
0xb0: {  	[dreg:$0x2] =	wrdreg s24  }
0xb1: {  	[dreg:$0x3] =	wrdreg s2  }
0xb2: {  	[dreg:$0x4] =	wrdreg s18  }
0xb3: {  	[dreg:$0x5] =	wrdreg s4  }
0xb4: {  	[dreg:$0x6] =	wrdreg $0x69000  }
0xb5: {  	[dreg:$0x7] =	wrdreg $0x9  }
0xb6: {  	_ =	task.clear_ibuf [dreg:s9], $0x8FFFF;
	_ =	strace $0x90000046  }
0xb7: {  	s29 =	simm.s32 $0x9;
	_ =	strace $0x80000048  }
0xb8: {  	_ =	swait.ge [sflag:s29], $0x1  }
0xb9: {  	[sflag:s29] =	ssyncadd.s32 $0xFFFFFFFF  }
0xba: {  	_ =	strace $0x90000048  }
0xbb: {  	_ =	sfence  }
0xbc: {  	s30 =	sld [smem:$0x0];
	_ =	sdelay $0x2  }
0xbd: {  	s31 =	sshll.u32 s1, $0xD;
	s1 =	sshrl.u32 s1, $0x2  }
0xbe: {  	s3 =	sand.u32 $0x4000, s31;
	s1 =	sadd.s32 s1, s30  }
0xbf: {  	s0 =	sor.u32 s3, s0;
	s1 =	sshll.u32 s1, $0x11  }
0xc0: {  	s0 =	sor.u32 s1, s0  }
0xc1: {  	s0 =	sadd.s32 $0x8F2B, s0  }
0xc2: {  	[sflag:s0] =	ssyncadd.remote.s32 $0x1  }
0xc3: {  	_ =	sfence.sel $0xFFFF  }
0xc4: {  	[dreg:$0x0] =	wrdreg $0xFFFFFFFF;
	(pc) =	sbr.abs _section_cstart, $3  }
0xc5: {  	[dreg:$0x1] =	wrdreg $0xFFFFFFFF  }
0xc6: {  	_ =	task.clear_ibuf [dreg:s9], $0x2FFFF;
	_ =	strace $0x9FFFFFFF  }
0xc7: {  	(tm) =	ssettm $0x7FFFFFFF  }
tec
execute0_lowered:
.L_overlay_start_1:
0x0: {  	(tag) =	ssettag $0x1  }
0x1: {  	s5 =	rddreg [dreg:$0x0]  }
0x2: {  	s6 =	rddreg [dreg:$0x1]  }
0x3: {  	s1 =	rddreg [dreg:$0x2]  }
0x4: {  	s2 =	rddreg [dreg:$0x3]  }
0x5: {  	s3 =	rddreg [dreg:$0x4];
	s7 =	srdreg.scid  }
0x6: {  	s0 =	rddreg [dreg:$0x5];
	s4 =	simm.s32 $0x0;
	s11 =	stileid.u32  }
0x7: {  	s12 =	simm.s32 $0x50;
	s7 =	sand.u32 $0x1, s7;
	[smem:$0x7FF] =	sst s4  }
0x8: {  	s9 =	sshll.u32 s11, $0xB;
	s31 =	sshll.u32 s11, $0x4;
	p0 =	sne.s32 s11, $0x0  }
0x9: {  	s8 =	ssub.s32 $0x2, s7;
	_ =	strace $0x80000047;
	s9 =	sadd.s32 s9, s5  }
0xa: {  	s5 =	sadd.s32 s6, s31;
	s13 =	sor.u32 s11, s7;
	s11 =	simm.s32 $0x4000  }
0xb: {  	s10 =	sshrl.u32 s8, $0x1;
	s6 =	sadd.s32 $0x400, s9;
	s9 =	simm.s32 $0x1  }
0xc: {  	p1 =	sne.s32 s13, $0x0;
	s13 =	simm.s32 $0x0;
	s8 =	ssub.s32 s8, s10  }
0xd: {  	v0 =	vimm.f32 $0.0e+00;
	s10 =	simm.s32 $0x6800;
	s7 =	smax.u32 s8, $0x1;
	s8 =	simm.s32 $0x6880  }
.LBB2_1:
0xe: {  	[tilespmem:s8], [sflag:$0x1] =	stream.linear.gather [hbm4b:s5+s4], $0x80, $0x38;
	[tilespmem:$0x6B80] =	vst v63  }
0xf: {  	_ =	swait.ge [sflag:s9], $0x80  }
0x10: {  	[sflag:s9] =	ssyncset.done $0x0  }
0x11: {  	[sflag:s9] =	ssyncadd.s32 $0xFFFFFF80  }
0x12: {  	[tilespmem:s4], [sflag:$0x1] =	stream.linear.gather [hbm4b:s6+s4], $0x3E80, $0x38;
	[tilespmem:$0x6B80] =	vst v63  }
0x13: {  	_ =	swait.ge [sflag:s9], $0x3E80  }
0x14: {  	[sflag:s9] =	ssyncset.done $0x0  }
0x15: {  	[sflag:s9] =	ssyncadd.s32 $0xFFFFC180  }
0x16: {  	[tilespmem:s10], [sflag:$0x1] =	stream.linear.gather [hbm4b:s1+s4], $0x80, $0x38;
	[tilespmem:$0x6B80] =	vst v63  }
0x17: {  	_ =	swait.ge [sflag:s9], $0x80  }
0x18: {  	[sflag:s9] =	ssyncset.done $0x0  }
0x19: {  	[sflag:s9] =	ssyncadd.s32 $0xFFFFFF80  }
0x1a: {  	s14 =	simm.s32 $0x0;
	s15 =	simm.s32 $0x200;
	v1 =	vld [tilespmem:$0x6880]  }
.LBB2_2:
0x1b: {  	p2 =	sne.s32 s15, $0x9E00;
	[tilespmem:s14+$0x4070] =	vst v0  }
0x1c: {  	[tilespmem:s14+$0x4000] =	vst v0  }
0x1d: {  	[tilespmem:s14+$0x4010] =	vst v0  }
.Ltmp0:
0x1e: {  	[tilespmem:s14+$0x4020] =	vst v0;
	(pc) =	sbr.rel @p2 .LBB2_2-.Ltmp0, $4  }
0x1f: {  	[tilespmem:s14+$0x4030] =	vst v0  }
0x20: {  	[tilespmem:s14+$0x4040] =	vst v0  }
0x21: {  	[tilespmem:s14+$0x4050] =	vst v0  }
0x22: {  	[tilespmem:s14+$0x4060] =	vst v0;
	s14 =	sshra.s32 s15, $0x2;
	s15 =	sadd.s32 $0x200, s15  }
0x23: {  	[tilespmem:s14+$0x4070] =	vst v0  }
0x24: {  	[tilespmem:s14+$0x4000] =	vst v0  }
0x25: {  	[tilespmem:s14+$0x4010] =	vst v0  }
0x26: {  	[tilespmem:s14+$0x4020] =	vst v0  }
0x27: {  	[tilespmem:s14+$0x4030] =	vst v0  }
0x28: {  	[tilespmem:s14+$0x4040] =	vst v0  }
0x29: {  	[tilespmem:s14+$0x4050] =	vst v0  }
0x2a: {  	[tilespmem:s14+$0x4060] =	vst v0;
	s14 =	simm.s32 @!p0 $0x4000  }
0x2b: {  	[spmem:s3] =	stream.linear.scatter @!p0 [tilespmem:s14], [sflag:$0x1], $0x2800, $0x38;
	[tilespmem:$0x6B80] =	vst v63  }
0x2c: {  	s14 =	simm.s32 @!p0 $0x1  }
0x2d: {  	_ =	swait.ge @!p0 [sflag:s14], $0x2800  }
0x2e: {  	[sflag:s14] =	ssyncset.done @!p0 $0x0  }
0x2f: {  	[sflag:s14] =	ssyncadd.s32 @!p0 $0xFFFFD800  }
0x30: {  	s14 =	simm.s32 $0x0;
	[bflag:$0x0] =	sbarrier.arrive $0xFFFF  }
.LBB2_4:
0x31: {  	s15 =	sshra.s32 s14, $0x2  }
0x32: {  	v2 =	vld [tilespmem:s15+$0x0];
	_ =	sdelay $0x7  }
0x33: {  	[tilespmem:v2+s11+$0x0] =	vst.idx.add.f32.msk $0xffff, v1  }
0x34: {  	v2 =	vld [tilespmem:s15+$0x10];
	_ =	sdelay $0x7  }
0x35: {  	[tilespmem:v2+s11+$0x0] =	vst.idx.add.f32.msk $0xffff, v1  }
0x36: {  	v2 =	vld [tilespmem:s15+$0x20];
	_ =	sdelay $0x7  }
0x37: {  	[tilespmem:v2+s11+$0x0] =	vst.idx.add.f32.msk $0xffff, v1  }
0x38: {  	v2 =	vld [tilespmem:s15+$0x30];
	_ =	sdelay $0x7  }
0x39: {  	[tilespmem:v2+s11+$0x0] =	vst.idx.add.f32.msk $0xffff, v1  }
0x3a: {  	v2 =	vld [tilespmem:s15+$0x40];
	_ =	sdelay $0x2  }
0x3b: {  	p2 =	sne.s32 s14, $0xF800  }
.Ltmp1:
0x3c: {  	_ = 	snop;
	(pc) =	sbr.rel @p2 .LBB2_4-.Ltmp1, $2  }
0x3d: {  	_ =	sdelay $0x2  }
0x3e: {  	s14 =	sadd.s32 $0x200, s14;
	[tilespmem:v2+s11+$0x0] =	vst.idx.add.f32.msk $0xffff, v1  }
0x3f: {  	[bflag:$0x0] =	sbarrier.arrive $0xFFFF  }
0x40: {  	[spmem:s3] =	stream.indirect.scatter.add.f32 [tilespmem:s11], [sflag:$0x1], $0x80, s10, s12, $0xb8;
	[tilespmem:$0x6B80] =	vst v63  }
0x41: {  	_ =	swait.ge [sflag:s9], $0x2800  }
0x42: {  	[sflag:s9] =	ssyncset.done $0x0  }
0x43: {  	[sflag:s9] =	ssyncadd.s32 $0xFFFFD800  }
0x44: {  	[bflag:$0x0] =	sbarrier.arrive $0xFFFF  }
0x45: {  	[tilespmem:s11], [sflag:$0x1] =	stream.linear.gather [spmem:s3], $0x2800, $0x38;
	[tilespmem:$0x6B80] =	vst v63  }
0x46: {  	_ =	swait.ge [sflag:s9], $0x2800  }
0x47: {  	[sflag:s9] =	ssyncset.done $0x0  }
0x48: {  	s14 =	simm.s32 $0x0;
	[sflag:s9] =	ssyncadd.s32 $0xFFFFD800  }
0x49: {  	v1 =	vld [tilespmem:s14+$0x4060]  }
0x4a: {  	v2 =	vld [tilespmem:s14+$0x4020]  }
0x4b: {  	v3 =	vld [tilespmem:s14+$0x4070];
	_ =	sdelay $0x2  }
0x4c: {  	v4 =	vld [tilespmem:s14+$0x4000];
	vm6 =	vgt.f32 v1, $0.0e+00  }
0x4d: {  	v7 =	vld [tilespmem:s14+$0x4040];
	vm7 =	vgt.f32 v2, $0.0e+00;
	v1 =	vnsel vm6, $0x3F800000, v1  }
0x4e: {  	v10 =	vld [tilespmem:s14+$0x4050];
	vm0 =	vgt.f32 v3, $0.0e+00;
	v5 =	vshrl.u32 v1, $0x1;
	v6 =	vmul.f32 $5.000000000e-01, v1  }
0x4f: {  	v3 =	vnsel vm0, $0x3F800000, v3;
	v1 =	vnsel vm7, $0x3F800000, v2;
	v5 =	vsub.s32 $0x5F3759DF, v5  }
0x50: {  	v13 =	vshrl.u32 v3, $0x1;
	v17 =	vmul.f32 $5.000000000e-01, v3;
	v3 =	vld [tilespmem:s14+$0x4030];
	v2 =	vmul.f32 v5, v6  }
0x51: {  	vm1 =	vgt.f32 v4, $0.0e+00  }
0x52: {  	v8 =	vshrl.u32 v1, $0x1;
	v9 =	vmul.f32 $5.000000000e-01, v1;
	v1 =	vmul.f32 v5, v2  }
0x53: {  	vm3 =	vgt.f32 v7, $0.0e+00;
	vm2 =	vgt.f32 v10, $0.0e+00;
	v8 =	vsub.s32 $0x5F3759DF, v8  }
0x54: {  	v7 =	vnsel vm3, $0x3F800000, v7;
	v11 =	vmul.f32 v8, v9;
	v2 =	vld [tilespmem:s14+$0x4010];
	v12 =	vsub.f32 $1.500000000e+00, v1  }
0x55: {  	v10 =	vnsel vm2, $0x3F800000, v10;
	v16 =	vmul.f32 $5.000000000e-01, v7;
	vm5 =	vgt.f32 v3, $0.0e+00  }
0x56: {  	v1 =	vnsel vm1, $0x3F800000, v4;
	v4 =	vmul.f32 v8, v11;
	v5 =	vmul.f32 v5, v12  }
0x57: {  	v19 =	vshrl.u32 v10, $0x1;
	v13 =	vsub.s32 $0x5F3759DF, v13;
	v22 =	vnsel vm5, $0x3F800000, v3  }
0x58: {  	v11 =	vshrl.u32 v1, $0x1;
	v4 =	vsub.f32 $1.500000000e+00, v4;
	v12 =	vmul.f32 v5, v6  }
0x59: {  	v1 =	vmul.f32 $5.000000000e-01, v1;
	v11 =	vsub.s32 $0x5F3759DF, v11;
	vm4 =	vgt.f32 v2, $0.0e+00  }
0x5a: {  	v14 =	vnsel vm4, $0x3F800000, v2;
	v4 =	vmul.f32 v8, v4;
	v12 =	vmul.f32 v12, v5  }
0x5b: {  	v8 =	vshrl.u32 v7, $0x1;
	v7 =	vmul.f32 v11, v1;
	v2 =	vmul.f32 $5.000000000e-01, v14  }
0x5c: {  	v8 =	vsub.s32 $0x5F3759DF, v8;
	v15 =	vmul.f32 v4, v9;
	v12 =	vsub.f32 $1.500000000e+00, v12  }
0x5d: {  	v14 =	vshrl.u32 v14, $0x1;
	v18 =	vmul.f32 v8, v16;
	v7 =	vmul.f32 v11, v7  }
0x5e: {  	v14 =	vsub.s32 $0x5F3759DF, v14;
	v15 =	vmul.f32 v15, v4;
	v5 =	vmul.f32 v12, v5  }
0x5f: {  	v3 =	vmul.f32 $5.000000000e-01, v22;
	v21 =	vmul.f32 v14, v2;
	v7 =	vsub.f32 $1.500000000e+00, v7  }
0x60: {  	v18 =	vmul.f32 v8, v18;
	v15 =	vsub.f32 $1.500000000e+00, v15;
	v20 =	vmul.f32 v5, v6  }
0x61: {  	v22 =	vshrl.u32 v22, $0x1;
	v50 =	vmul.f32 v14, v21;
	v7 =	vmul.f32 v11, v7  }
0x62: {  	v11 =	vsub.s32 $0x5F3759DF, v22;
	v15 =	vmul.f32 v15, v4;
	v20 =	vmul.f32 v20, v5  }
0x63: {  	v12 =	vmul.f32 v13, v17;
	v51 =	vmul.f32 v11, v3;
	v55 =	vsub.f32 $1.500000000e+00, v50  }
0x64: {  	v4 =	vmul.f32 $5.000000000e-01, v10;
	v10 =	vmul.f32 v15, v9;
	v20 =	vsub.f32 $1.500000000e+00, v20  }
0x65: {  	v18 =	vsub.f32 $1.500000000e+00, v18;
	v12 =	vmul.f32 v13, v12;
	v14 =	vmul.f32 v14, v55  }
0x66: {  	v19 =	vsub.s32 $0x5F3759DF, v19;
	v10 =	vmul.f32 v10, v15;
	v5 =	vmul.f32 v20, v5  }
0x67: {  	v8 =	vmul.f32 v8, v18;
	v23 =	vmul.f32 v19, v4;
	v12 =	vsub.f32 $1.500000000e+00, v12  }
0x68: {  	v58 =	vmul.f32 v14, v2;
	v10 =	vsub.f32 $1.500000000e+00, v10;
	v6 =	vmul.f32 v5, v6  }
0x69: {  	v52 =	vmul.f32 v19, v23;
	v12 =	vmul.f32 v13, v12  }
0x6a: {  	v10 =	vmul.f32 v10, v15;
	v6 =	vmul.f32 v6, v5  }
0x6b: {  	v13 =	vmul.f32 v7, v1;
	v53 =	vsub.f32 $1.500000000e+00, v52;
	v15 =	vmul.f32 v11, v51  }
0x6c: {  	v54 =	vmul.f32 v12, v17;
	v9 =	vmul.f32 v10, v9;
	v6 =	vsub.f32 $1.500000000e+00, v6  }
0x6d: {  	v13 =	vmul.f32 v13, v7;
	v19 =	vmul.f32 v19, v53;
	v15 =	vsub.f32 $1.500000000e+00, v15  }
0x6e: {  	v9 =	vmul.f32 v9, v10;
	v5 =	vmul.f32 v6, v5  }
0x6f: {  	v13 =	vsub.f32 $1.500000000e+00, v13;
	v6 =	vmul.f32 v11, v15;
	v15 =	vmul.f32 v54, v12  }
0x70: {  	v56 =	vmul.f32 v19, v4;
	v11 =	vmul.f32 v8, v16  }
0x71: {  	v13 =	vmul.f32 v13, v7;
	v9 =	vsub.f32 $1.500000000e+00, v9;
	v15 =	vsub.f32 $1.500000000e+00, v15  }
0x72: {  	v57 =	vmul.f32 v56, v19;
	v11 =	vmul.f32 v11, v8  }
0x73: {  	v10 =	vmul.f32 v9, v10;
	v12 =	vmul.f32 v15, v12  }
0x74: {  	v9 =	vmul.f32 v6, v3;
	v7 =	vsub.f32 $1.500000000e+00, v11;
	v11 =	vsub.f32 $1.500000000e+00, v57  }
0x75: {  	v15 =	vmul.f32 v58, v14;
	v59 =	vmul.f32 v12, v17  }
0x76: {  	v60 =	vmul.f32 v7, v8;
	v19 =	vmul.f32 v11, v19  }
0x77: {  	v7 =	vmul.f32 v13, v1;
	v8 =	vsub.f32 $1.500000000e+00, v15;
	v11 =	vmul.f32 v59, v12  }
0x78: {  	v15 =	vmul.f32 v9, v6;
	v61 =	vmul.f32 v60, v16  }
0x79: {  	v9 =	vmul.f32 v8, v14;
	v8 =	vmul.f32 v19, v4;
	v11 =	vsub.f32 $1.500000000e+00, v11  }
0x7a: {  	v7 =	vmul.f32 v7, v13;
	v14 =	vmul.f32 v61, v60  }
0x7b: {  	v15 =	vsub.f32 $1.500000000e+00, v15;
	v62 =	vmul.f32 v8, v19;
	v8 =	vmul.f32 v11, v12  }
0x7c: {  	v12 =	vsub.f32 $1.500000000e+00, v7;
	v11 =	vmul.f32 v9, v2;
	v14 =	vsub.f32 $1.500000000e+00, v14  }
0x7d: {  	v7 =	vmul.f32 v15, v6;
	v6 =	vsub.f32 $1.500000000e+00, v62;
	v15 =	vmul.f32 v8, v17  }
0x7e: {  	v5 =	vnsel vm6, $0x0, v5;
	v63 =	vmul.f32 v11, v9;
	v11 =	vmul.f32 v14, v60  }
0x7f: {  	[tilespmem:s14+$0x4060] =	vst v5;
	v5 =	vnsel vm7, $0x0, v10;
	v10 =	vmul.f32 v12, v13;
	v6 =	vmul.f32 v6, v19  }
0x80: {  	s15 =	simm.s32 $0x200;
	[tilespmem:s14+$0x4020] =	vst v5;
	v12 =	vsub.f32 $1.500000000e+00, v63;
	v13 =	vmul.f32 v11, v16;
	v5 =	vmul.f32 v15, v8  }
.LBB2_6:
0x81: {  	s16 =	sshra.s32 s15, $0x2;
	p2 =	sne.s32 s15, $0x9E00;
	s15 =	sadd.s32 $0x200, s15;
	v1 =	vmul.f32 v10, v1;
	v14 =	vmul.f32 v7, v3  }
0x82: {  	v15 =	vld [tilespmem:s16+$0x4060];
	v9 =	vmul.f32 v12, v9;
	v12 =	vmul.f32 v13, v11;
	v5 =	vsub.f32 $1.500000000e+00, v5  }
0x83: {  	v13 =	vld [tilespmem:s16+$0x4020];
	v1 =	vmul.f32 v1, v10;
	v14 =	vmul.f32 v14, v7  }
0x84: {  	v2 =	vmul.f32 v9, v2;
	v12 =	vsub.f32 $1.500000000e+00, v12;
	v5 =	vmul.f32 v5, v8  }
0x85: {  	v4 =	vmul.f32 v6, v4;
	v1 =	vsub.f32 $1.500000000e+00, v1;
	v8 =	vsub.f32 $1.500000000e+00, v14  }
0x86: {  	v2 =	vmul.f32 v2, v9;
	v11 =	vmul.f32 v12, v11;
	v5 =	vnsel vm0, $0x0, v5  }
0x87: {  	v4 =	vmul.f32 v4, v6;
	v1 =	vmul.f32 v1, v10;
	[tilespmem:s14+$0x4070] =	vst v5  }
0x88: {  	vm6 =	vgt.f32 v13, $0.0e+00;
	v5 =	vld [tilespmem:s16+$0x4070];
	v2 =	vsub.f32 $1.500000000e+00, v2;
	v10 =	vnsel vm3, $0x0, v11  }
0x89: {  	v4 =	vsub.f32 $1.500000000e+00, v4;
	vm7 =	vgt.f32 v15, $0.0e+00;
	v1 =	vnsel vm1, $0x0, v1;
	[tilespmem:s14+$0x4040] =	vst v10  }
0x8a: {  	v10 =	vnsel vm6, $0x3F800000, v13;
	[tilespmem:s14+$0x4000] =	vst v1;
	v1 =	vmul.f32 v2, v9;
	v2 =	vmul.f32 v8, v7  }
0x8b: {  	v4 =	vmul.f32 v4, v6;
	v8 =	vshrl.u32 v10, $0x1;
	v9 =	vnsel vm7, $0x3F800000, v15;
	v7 =	vld [tilespmem:s16+$0x4000]  }
0x8c: {  	v11 =	vshrl.u32 v9, $0x1;
	v9 =	vmul.f32 $5.000000000e-01, v9;
	v6 =	vld [tilespmem:s16+$0x4040];
	v3 =	vmul.f32 v2, v3  }
0x8d: {  	v4 =	vnsel vm2, $0x0, v4;
	v1 =	vnsel vm4, $0x0, v1;
	vm0 =	vgt.f32 v5, $0.0e+00  }
0x8e: {  	v10 =	vmul.f32 $5.000000000e-01, v10;
	v11 =	vsub.s32 $0x5F3759DF, v11;
	v3 =	vmul.f32 v3, v2;
	[tilespmem:s14+$0x4050] =	vst v4  }
0x8f: {  	v12 =	vmul.f32 v11, v9;
	v13 =	vnsel vm0, $0x3F800000, v5;
	v4 =	vld [tilespmem:s16+$0x4050];
	[tilespmem:s14+$0x4010] =	vst v1  }
0x90: {  	v8 =	vsub.s32 $0x5F3759DF, v8;
	vm1 =	vgt.f32 v7, $0.0e+00;
	v5 =	vld [tilespmem:s16+$0x4010];
	v1 =	vsub.f32 $1.500000000e+00, v3  }
0x91: {  	v3 =	vmul.f32 v11, v12;
	v12 =	vshrl.u32 v13, $0x1;
	vm3 =	vgt.f32 v6, $0.0e+00  }
0x92: {  	v14 =	vmul.f32 v8, v10;
	v7 =	vnsel vm1, $0x3F800000, v7;
	v2 =	vmul.f32 v1, v2  }
0x93: {  	v15 =	vshrl.u32 v7, $0x1;
	v1 =	vmul.f32 $5.000000000e-01, v7;
	v3 =	vsub.f32 $1.500000000e+00, v3  }
0x94: {  	v14 =	vmul.f32 v8, v14;
	v6 =	vnsel vm3, $0x3F800000, v6;
	v7 =	vsub.s32 $0x5F3759DF, v15  }
0x95: {  	vm2 =	vgt.f32 v4, $0.0e+00;
	v3 =	vmul.f32 v11, v3;
	v2 =	vnsel vm5, $0x0, v2  }
0x96: {  	v11 =	vsub.f32 $1.500000000e+00, v14;
	vm4 =	vgt.f32 v5, $0.0e+00;
	v4 =	vnsel vm2, $0x3F800000, v4;
	[tilespmem:s14+$0x4030] =	vst v2;
	s14 =	smov.u32 s16  }
0x97: {  	v2 =	vnsel vm4, $0x3F800000, v5;
	v5 =	vshrl.u32 v6, $0x1;
	v14 =	vmul.f32 v3, v9  }
0x98: {  	v8 =	vmul.f32 v8, v11;
	v15 =	vshrl.u32 v2, $0x1;
	v11 =	vsub.s32 $0x5F3759DF, v5  }
0x99: {  	v2 =	vmul.f32 $5.000000000e-01, v2;
	v14 =	vmul.f32 v14, v3  }
0x9a: {  	v5 =	vmul.f32 $5.000000000e-01, v6;
	v16 =	vmul.f32 v8, v10  }
0x9b: {  	v17 =	vmul.f32 v7, v1;
	v6 =	vmul.f32 $5.000000000e-01, v13;
	v14 =	vsub.f32 $1.500000000e+00, v14;
	v18 =	vld [tilespmem:s14+$0x4030]  }
0x9c: {  	v12 =	vsub.s32 $0x5F3759DF, v12;
	v13 =	vmul.f32 v16, v8;
	v16 =	vmul.f32 v11, v5  }
0x9d: {  	v15 =	vsub.s32 $0x5F3759DF, v15;
	v14 =	vmul.f32 v14, v3;
	v3 =	vmul.f32 v12, v6  }
0x9e: {  	v17 =	vmul.f32 v7, v17;
	v19 =	vshrl.u32 v4, $0x1;
	v13 =	vsub.f32 $1.500000000e+00, v13  }
0x9f: {  	v19 =	vsub.s32 $0x5F3759DF, v19;
	v20 =	vmul.f32 v14, v9;
	v21 =	vmul.f32 v12, v3  }
0xa0: {  	v22 =	vmul.f32 v15, v2;
	v8 =	vmul.f32 v13, v8;
	vm5 =	vgt.f32 v18, $0.0e+00  }
0xa1: {  	v4 =	vmul.f32 $5.000000000e-01, v4;
	v13 =	vsub.f32 $1.500000000e+00, v17;
	v17 =	vmul.f32 v20, v14  }
0xa2: {  	v16 =	vmul.f32 v11, v16;
	v20 =	vmul.f32 v8, v10;
	v18 =	vnsel vm5, $0x3F800000, v18  }
0xa3: {  	v23 =	vmul.f32 v19, v4;
	v3 =	vmul.f32 $5.000000000e-01, v18;
	v17 =	vsub.f32 $1.500000000e+00, v17  }
0xa4: {  	v7 =	vmul.f32 v7, v13;
	v13 =	vmul.f32 v20, v8;
	v18 =	vshrl.u32 v18, $0x1  }
0xa5: {  	v20 =	vmul.f32 v15, v22;
	v18 =	vsub.s32 $0x5F3759DF, v18;
	v14 =	vmul.f32 v17, v14  }
0xa6: {  	v22 =	vmul.f32 v19, v23;
	v13 =	vsub.f32 $1.500000000e+00, v13;
	v17 =	vmul.f32 v18, v3  }
0xa7: {  	v21 =	vsub.f32 $1.500000000e+00, v21;
	v20 =	vsub.f32 $1.500000000e+00, v20;
	v9 =	vmul.f32 v14, v9  }
0xa8: {  	v8 =	vmul.f32 v13, v8;
	v13 =	vmul.f32 v18, v17;
	v17 =	vsub.f32 $1.500000000e+00, v22  }
0xa9: {  	v12 =	vmul.f32 v12, v21;
	v9 =	vmul.f32 v9, v14  }
0xaa: {  	v16 =	vsub.f32 $1.500000000e+00, v16;
	v21 =	vmul.f32 v7, v1;
	v10 =	vmul.f32 v8, v10  }
0xab: {  	v17 =	vmul.f32 v19, v17;
	v19 =	vmul.f32 v12, v6;
	v9 =	vsub.f32 $1.500000000e+00, v9  }
0xac: {  	v11 =	vmul.f32 v11, v16;
	v13 =	vsub.f32 $1.500000000e+00, v13;
	v10 =	vmul.f32 v10, v8  }
0xad: {  	v16 =	vmul.f32 v21, v7;
	v9 =	vmul.f32 v9, v14  }
0xae: {  	v13 =	vmul.f32 v18, v13;
	v10 =	vsub.f32 $1.500000000e+00, v10;
	v14 =	vmul.f32 v11, v5  }
0xaf: {  	v18 =	vmul.f32 v17, v4;
	v19 =	vmul.f32 v19, v12;
	v9 =	vnsel vm7, $0x0, v9  }
0xb0: {  	v15 =	vmul.f32 v15, v20;
	v8 =	vmul.f32 v10, v8;
	[tilespmem:s14+$0x4060] =	vst v9  }
0xb1: {  	v10 =	vmul.f32 v13, v3;
	v9 =	vsub.f32 $1.500000000e+00, v16;
	v16 =	vsub.f32 $1.500000000e+00, v19  }
0xb2: {  	v18 =	vmul.f32 v18, v17;
	v14 =	vmul.f32 v14, v11;
	v8 =	vnsel vm6, $0x0, v8  }
0xb3: {  	v19 =	vmul.f32 v15, v2;
	[tilespmem:s14+$0x4020] =	vst v8;
	v8 =	vmul.f32 v16, v12  }
0xb4: {  	v12 =	vmul.f32 v9, v7;
	v7 =	vsub.f32 $1.500000000e+00, v14;
	v9 =	vsub.f32 $1.500000000e+00, v18  }
0xb5: {  	v14 =	vmul.f32 v19, v15;
	v16 =	vmul.f32 v8, v6  }
0xb6: {  	v11 =	vmul.f32 v7, v11;
	v17 =	vmul.f32 v9, v17  }
0xb7: {  	v7 =	vmul.f32 v12, v1;
	v9 =	vsub.f32 $1.500000000e+00, v14;
	v14 =	vmul.f32 v16, v8  }
0xb8: {  	v10 =	vmul.f32 v10, v13;
	v16 =	vmul.f32 v11, v5  }
0xb9: {  	v9 =	vmul.f32 v9, v15;
	v15 =	vmul.f32 v17, v4;
	v14 =	vsub.f32 $1.500000000e+00, v14  }
0xba: {  	v10 =	vsub.f32 $1.500000000e+00, v10;
	v7 =	vmul.f32 v7, v12;
	v16 =	vmul.f32 v16, v11  }
0xbb: {  	v15 =	vmul.f32 v15, v17;
	v8 =	vmul.f32 v14, v8  }
.Ltmp2:
0xbc: {  	v18 =	vmul.f32 v9, v2;
	v14 =	vsub.f32 $1.500000000e+00, v7;
	v16 =	vsub.f32 $1.500000000e+00, v16;
	(pc) =	sbr.rel @p2 .LBB2_6-.Ltmp2, $4  }
0xbd: {  	v7 =	vmul.f32 v10, v13;
	v13 =	vsub.f32 $1.500000000e+00, v15;
	v15 =	vmul.f32 v8, v6  }
0xbe: {  	v18 =	vmul.f32 v18, v9;
	v11 =	vmul.f32 v16, v11  }
0xbf: {  	v10 =	vmul.f32 v14, v12;
	v6 =	vmul.f32 v13, v17  }
0xc0: {  	v12 =	vsub.f32 $1.500000000e+00, v18;
	v13 =	vmul.f32 v11, v5;
	v5 =	vmul.f32 v15, v8  }
0xc1: {  	v14 =	vmul.f32 v7, v3;
	_ =	sdelay $0x1  }
0xc2: {  	v14 =	vmul.f32 v14, v7;
	_ =	sdelay $0x1  }
0xc3: {  	v1 =	vmul.f32 v10, v1;
	v14 =	vsub.f32 $1.500000000e+00, v14  }
0xc4: {  	v4 =	vmul.f32 v6, v4;
	v9 =	vmul.f32 v12, v9  }
0xc5: {  	v60 =	vmul.f32 v13, v11;
	v61 =	vmul.f32 v14, v7  }
0xc6: {  	v5 =	vsub.f32 $1.500000000e+00, v5;
	v1 =	vmul.f32 v1, v10;
	v2 =	vmul.f32 v9, v2  }
0xc7: {  	v4 =	vmul.f32 v4, v6;
	v12 =	vsub.f32 $1.500000000e+00, v60;
	v3 =	vmul.f32 v61, v3  }
0xc8: {  	v5 =	vmul.f32 v5, v8;
	v1 =	vsub.f32 $1.500000000e+00, v1;
	v2 =	vmul.f32 v2, v9  }
0xc9: {  	v4 =	vsub.f32 $1.500000000e+00, v4;
	v62 =	vmul.f32 v12, v11;
	v3 =	vmul.f32 v3, v61  }
0xca: {  	v5 =	vnsel vm0, $0x0, v5;
	v1 =	vmul.f32 v1, v10;
	v2 =	vsub.f32 $1.500000000e+00, v2  }
0xcb: {  	[tilespmem:s14+$0x4070] =	vst v5;
	v4 =	vmul.f32 v4, v6;
	v63 =	vnsel vm3, $0x0, v62;
	v3 =	vsub.f32 $1.500000000e+00, v3  }
0xcc: {  	v1 =	vnsel vm1, $0x0, v1;
	[tilespmem:s14+$0x4040] =	vst v63;
	v2 =	vmul.f32 v2, v9  }
0xcd: {  	[tilespmem:s14+$0x4000] =	vst v1;
	v1 =	vnsel vm2, $0x0, v4;
	v3 =	vmul.f32 v3, v61  }
0xce: {  	[tilespmem:s14+$0x4050] =	vst v1;
	v2 =	vnsel vm4, $0x0, v2  }
0xcf: {  	s13 =	sadd.s32 $0x1, s13;
	[tilespmem:s14+$0x4010] =	vst v2;
	v1 =	vnsel vm5, $0x0, v3  }
0xd0: {  	s15 =	simm.s32 @!p1 $0x4000;
	p2 =	sne.s32 s13, s7;
	[tilespmem:s14+$0x4030] =	vst v1;
	s14 =	simm.s32 @!p1 $0x0  }
0xd1: {  	[hbm4b:s2+s14] =	stream.linear.scatter @!p1 [tilespmem:s15], [sflag:$0x1], $0x2800, $0x38;
	[tilespmem:$0x6B80] =	vst v63  }
.Ltmp3:
0xd2: {  	_ = 	snop;
	(pc) =	sbr.rel @p2 .LBB2_1-.Ltmp3, $4  }
0xd3: {  	s14 =	simm.s32 @!p1 $0x1  }
0xd4: {  	_ =	swait.ge @!p1 [sflag:s14], $0x2800  }
0xd5: {  	[sflag:s14] =	ssyncset.done @!p1 $0x0  }
0xd6: {  	[sflag:s14] =	ssyncadd.s32 @!p1 $0xFFFFD800  }
0xd7: {  	_ =	sfence.sel $0x180000  }
0xd8: {  	[bflag:$0x0] =	sbarrier.arrive $0xFFFF  }
0xd9: {  	_ =	strace $0x90000047  }
0xda: {  	s0 =	sadd.s32 @!p0 $0x100000, s0;
	[bflag:$0x2] =	sbarrier.arrive $0xFFFF  }
0xdb: {  	[sflag:s0] =	ssyncadd.tile.s32 @!p0 $0x1;
	_ =	shalt  }
.Lfunc_end2:
_tile_overlayer_lowered:
.L_overlay_start_2:
0xdc: {  	(tag) =	ssettag $0x2  }
0xdd: {  	s0 =	rddreg [dreg:$0x0];
	s2 =	stileid.u32  }
0xde: {  	s1 =	rddreg [dreg:$0x1];
	p0 =	sne.s32 s2, $0x0  }
0xdf: {  	s3 =	rddreg [dreg:$0x2];
	[bflag:$0x3] =	sbarrier.arrive $0xFFFF;
	s2 =	simm.s32 @!p0 $0x1C01  }
0xe0: {  	[timem:s3], [sflag:s2] =	dma.local @!p0 [hbm:s0], s1  }
0xe1: {  	s0 =	simm.s32 @!p0 $0x1  }
0xe2: {  	_ =	swait.ge @!p0 [sflag:s0], s1  }
0xe3: {  	s1 =	ssub.s32 @!p0 $0x0, s1;
	[sflag:s0] =	ssyncset.done @!p0 $0x0  }
0xe4: {  	[sflag:s0] =	ssyncadd.s32 @!p0 s1  }
0xe5: {  	[bflag:$0x3] =	sbarrier.arrive $0xFFFF  }
0xe6: {  	_ =	shalt  }

</sc_bundles>
